<compile_context>
chip_gen: v7x
topology: tpu7x:2x2x1
jax: 0.10.2.dev20260603
libtpu: 0.0.44.dev20260713+nightly
codegen_flags: <defaults>
</compile_context>

<pallas_src>
import functools

import jax
import jax.numpy as jnp
from jax import lax
from jax.experimental import pallas as pl
from jax.experimental.pallas import tpu as pltpu
from jax.experimental.pallas import tpu_sc as plsc

IM_FE_RATIO = 16.0

B, C, H, W = 8, 768, 32, 32
HW = H * W
N = 8192

NUM_CORES = 2
NUM_SUBCORES = 16
NW = NUM_CORES * NUM_SUBCORES
CPW = C // NW
CHUNK = 2048
NCHUNKS = N // CHUNK
GROUPS = CHUNK // 16

_f32 = jnp.float32
_i32 = jnp.int32


def _make_kernel():
    mesh = plsc.VectorSubcoreMesh(core_axis_name="c", subcore_axis_name="s")

    @functools.partial(
        pl.kernel,
        out_type=jax.ShapeDtypeStruct((B, C, N), _f32),
        mesh=mesh,
        compiler_params=pltpu.CompilerParams(needs_layout_passes=False),
        scratch_types=[
            pltpu.VMEM((CPW * HW,), _f32),
            pltpu.VMEM((CHUNK,), _f32),
            pltpu.VMEM((CHUNK,), _f32),
            pltpu.VMEM((CPW, CHUNK), _f32),
        ],
    )
    def interp(feat_hbm, kx_hbm, ky_hbm, out_hbm, tab_v, kx_v, ky_v, out_v):
        wid = lax.axis_index("s") * NUM_CORES + lax.axis_index("c")
        c0 = wid * CPW

        inv_ratio = jnp.full((16,), 1.0 / IM_FE_RATIO, _f32)
        one = jnp.full((16,), 1.0, _f32)
        half = jnp.full((16,), 0.5, _f32)
        zero = jnp.full((16,), 0.0, _f32)
        eps = jnp.full((16,), 1e-10, _f32)
        wvec = jnp.full((16,), W, _i32)
        xmax = jnp.full((16,), W - 1, _i32)
        ymax = jnp.full((16,), H - 1, _i32)
        izero = jnp.full((16,), 0, _i32)

        def batch_body(b, _):
            pltpu.sync_copy(feat_hbm.at[b, pl.ds(c0 * HW, CPW * HW)], tab_v)

            def chunk_body(j, _):
                n0 = j * CHUNK
                pltpu.sync_copy(kx_hbm.at[b, pl.ds(n0, CHUNK)], kx_v)
                pltpu.sync_copy(ky_hbm.at[b, pl.ds(n0, CHUNK)], ky_v)

                def group_body(g, _):
                    xs = kx_v[pl.ds(g * 16, 16)] * inv_ratio
                    ys = ky_v[pl.ds(g * 16, 16)] * inv_ratio
                    fx = jnp.maximum(xs.astype(_i32), izero)
                    fy = jnp.maximum(ys.astype(_i32), izero)
                    fxf = fx.astype(_f32)
                    fyf = fy.astype(_f32)
                    cx = jnp.minimum(
                        jnp.where(xs > fxf, fx + 1, fx), xmax)
                    cy = jnp.minimum(
                        jnp.where(ys > fyf, fy + 1, fy), ymax)
                    ux = xs - fxf
                    uy = ys - fyf
                    mask = (jnp.where(xs > eps, half, zero)
                            + jnp.where(ys > eps, half, zero))
                    lxm = (one - ux) * mask
                    uxm = ux * mask
                    ly = one - uy
                    w00 = lxm * ly
                    w01 = uxm * ly
                    w10 = lxm * uy
                    w11 = uxm * uy
                    rf = fy * wvec
                    rc = cy * wvec
                    i00 = rf + fx
                    i01 = rf + cx
                    i10 = rc + fx
                    i11 = rc + cx
                    for c in range(CPW):
                        cb = jnp.full((16,), c * HW, _i32)
                        acc = plsc.load_gather(tab_v, [i00 + cb]) * w00
                        acc = acc + plsc.load_gather(tab_v, [i01 + cb]) * w01
                        acc = acc + plsc.load_gather(tab_v, [i10 + cb]) * w10
                        acc = acc + plsc.load_gather(tab_v, [i11 + cb]) * w11
                        out_v[c, pl.ds(g * 16, 16)] = acc
                    return 0

                lax.fori_loop(0, GROUPS, group_body, 0)
                pltpu.sync_copy(
                    out_v, out_hbm.at[b, pl.ds(c0, CPW), pl.ds(n0, CHUNK)])
                return 0

            lax.fori_loop(0, NCHUNKS, chunk_body, 0)
            return 0

        lax.fori_loop(0, B, batch_body, 0)

    return interp


_interp = _make_kernel()


def kernel(feature, keypoints):
    feat = feature.reshape(B, C * HW)
    kx = keypoints[:, :, 0]
    ky = keypoints[:, :, 1]
    return _interp(feat, kx, ky)

# --- scband reference (transcript-rebuilt; emitter-appended) ---
"""Pipeline reference for scband-interpolator-8693013807470 (READ-ONLY COPY).

The authoritative reference and input builder live on the scoring server;
editing this copy changes nothing except your own understanding.
"""

import jax, jax.numpy as jnp
import numpy as np

IM_FE_RATIO = 16.0

def setup_inputs(seed: int = 0) -> dict:
    key = jax.random.key(seed)
    k1, k2 = jax.random.split(key)
    feature = jax.random.normal(k1, (8, 768, 32, 32), dtype=jnp.float32)
    keypoints = jax.random.randint(k2, (8, 8192, 2), 0, 496).astype(jnp.float32)
    return {"feature": feature, "keypoints": keypoints}

def reference(feature, keypoints):
    B, C, H, W = feature.shape
    N = keypoints.shape[1]
    feat = feature.reshape(B, C, H * W)
    kp = keypoints / IM_FE_RATIO
    maxXY = jnp.array([W - 1.0, H - 1.0], dtype=jnp.float32)[None, None, :]
    minXY = jnp.zeros((1, 1, 2), dtype=jnp.float32)
    iLower = jnp.maximum(jnp.floor(kp), minXY)
    iUpper = jnp.minimum(jnp.ceil(kp), maxXY)
    upper = kp - iLower
    lower = 1.0 - upper
    iX = jnp.stack([iLower[:, :, 0], iUpper[:, :, 0]], axis=2)
    iY = jnp.stack([iLower[:, :, 1], iUpper[:, :, 1]], axis=2)
    xX = jnp.stack([lower[:, :, 0], upper[:, :, 0]], axis=2)
    yY = jnp.stack([lower[:, :, 1], upper[:, :, 1]], axis=2)
    iX4 = jnp.broadcast_to(iX[:, :, None, :], (B, N, 2, 2)).reshape(B, N, 4).astype(jnp.int32)
    iY4 = jnp.swapaxes(jnp.broadcast_to(iY[:, :, None, :], (B, N, 2, 2)), 2, 3).reshape(B, N, 4).astype(jnp.int32)
    xX4 = jnp.broadcast_to(xX[:, :, None, :], (B, N, 2, 2)).reshape(B, N, 4)
    yY4 = jnp.swapaxes(jnp.broadcast_to(yY[:, :, None, :], (B, N, 2, 2)), 2, 3).reshape(B, N, 4)
    coeff = (xX4 * yY4).reshape(B, N * 4)
    indices = (iY4 * W + iX4).reshape(B, N * 4)
    idx = jnp.broadcast_to(indices[:, None, :], (B, C, N * 4))
    UF = jnp.take_along_axis(feat, idx, axis=2)
    UF = UF * coeff[:, None, :]
    UF = UF.reshape(B, C, N, 4).sum(axis=3)
    mask = (kp[:, :, :2] > 1e-10).astype(jnp.float32).mean(axis=2)
    UF = UF * mask[:, None, :]
    return UF

if __name__ == "__main__":
    import jax
    _d = setup_inputs()
    print(jax.jit(kernel)(*tuple(_d.values())))

</pallas_src>

<mosaic_0001>
#map = affine_map<(d0, d1) -> (0, 0)>
#map1 = affine_map<(d0, d1) -> (0, 0, 0)>
module attributes {stable_mosaic.version = 14 : i64} {
  func.func @interp(%arg0: i32, %arg1: i32, %arg2: memref<8x786432xf32, #tpu.memory_space<hbm>>, %arg3: memref<8x8192xf32, #tpu.memory_space<hbm>>, %arg4: memref<8x8192xf32, #tpu.memory_space<hbm>>, %arg5: memref<8x768x8192xf32, #tpu.memory_space<hbm>>, %arg6: memref<24576xf32, #tpu.memory_space<vmem>>, %arg7: memref<2048xf32, #tpu.memory_space<vmem>>, %arg8: memref<2048xf32, #tpu.memory_space<vmem>>, %arg9: memref<24x2048xf32, #tpu.memory_space<vmem>>) attributes {dimension_semantics = [#tpu.dimension_semantics<core_parallel>, #tpu.dimension_semantics<subcore_parallel>], iteration_bounds = array<i64: 2, 16>, scalar_prefetch = 0 : i64, scratch_operands = 4 : i64, tpu.core_type = #tpu.core_type<sc_vector_subcore>, window_params = [{transform_indices = #map}, {transform_indices = #map}, {transform_indices = #map}, {transform_indices = #map1}]} {
    %mul3A = arith.constant 2 : i32
    %mul3A_0 = arith.muli %arg1, %mul3A : i32
    %add3A = arith.addi %mul3A_0, %arg0 : i32
    %mul3A_1 = arith.constant 24 : i32
    %mul3A_2 = arith.muli %add3A, %mul3A_1 : i32
    %broadcast_in_dim3A = arith.constant 6.250000e-02 : f32
    %broadcast_in_dim3A_3 = vector.broadcast %broadcast_in_dim3A : f32 to vector<16xf32>
    %broadcast_in_dim3A_4 = arith.constant 1.000000e+00 : f32
    %broadcast_in_dim3A_5 = vector.broadcast %broadcast_in_dim3A_4 : f32 to vector<16xf32>
    %broadcast_in_dim3A_6 = arith.constant 5.000000e-01 : f32
    %broadcast_in_dim3A_7 = vector.broadcast %broadcast_in_dim3A_6 : f32 to vector<16xf32>
    %broadcast_in_dim3A_8 = arith.constant 0.000000e+00 : f32
    %broadcast_in_dim3A_9 = vector.broadcast %broadcast_in_dim3A_8 : f32 to vector<16xf32>
    %broadcast_in_dim3A_10 = arith.constant 1.000000e-10 : f32
    %broadcast_in_dim3A_11 = vector.broadcast %broadcast_in_dim3A_10 : f32 to vector<16xf32>
    %broadcast_in_dim3A_12 = arith.constant 32 : i32
    %broadcast_in_dim3A_13 = vector.broadcast %broadcast_in_dim3A_12 : i32 to vector<16xi32>
    %broadcast_in_dim3A_14 = arith.constant 31 : i32
    %broadcast_in_dim3A_15 = vector.broadcast %broadcast_in_dim3A_14 : i32 to vector<16xi32>
    %broadcast_in_dim3A_16 = arith.constant 31 : i32
    %broadcast_in_dim3A_17 = vector.broadcast %broadcast_in_dim3A_16 : i32 to vector<16xi32>
    %broadcast_in_dim3A_18 = arith.constant 0 : i32
    %broadcast_in_dim3A_19 = vector.broadcast %broadcast_in_dim3A_18 : i32 to vector<16xi32>
    %scan3A = arith.constant 0 : i32
    %scan3A_20 = arith.constant 0 : i32
    %scan3A_21 = arith.constant 8 : i32
    %scan3A_22 = arith.addi %scan3A_20, %scan3A_21 : i32
    %scan3A_23 = arith.constant 1 : i32
    %scan3A_24 = scf.for %scan3A_26 = %scan3A_20 to %scan3A_22 step %scan3A_23 iter_args(%scan3A_27 = %scan3A) -> (i32)  : i32 {
      %mul3A_28 = arith.constant 1024 : i32
      %mul3A_29 = arith.muli %mul3A_2, %mul3A_28 : i32
      "tpu.region"() ({
        %run_scoped3A = tpu.sem_alloc : memref<!tpu.dma_semaphore, #tpu.memory_space<semaphore_mem>>
        %dma_start3A = tpu.memref_slice %arg2[%scan3A_26, %mul3A_29] : memref<8x786432xf32, #tpu.memory_space<hbm>> -> memref<1x24576xf32, #tpu.memory_space<hbm>>
        %dma_start3A_38 = tpu.memref_squeeze %dma_start3A : memref<1x24576xf32, #tpu.memory_space<hbm>> -> memref<24576xf32, #tpu.memory_space<hbm>>
        %dma_start3A_39 = tpu.memref_slice %arg2[%scan3A_26, %mul3A_29] : memref<8x786432xf32, #tpu.memory_space<hbm>> -> memref<1x24576xf32, #tpu.memory_space<hbm>>
        %dma_start3A_40 = tpu.memref_squeeze %dma_start3A_39 : memref<1x24576xf32, #tpu.memory_space<hbm>> -> memref<24576xf32, #tpu.memory_space<hbm>>
        tpu.enqueue_dma source(%dma_start3A_40 : memref<24576xf32, #tpu.memory_space<hbm>>) target(%arg6 : memref<24576xf32, #tpu.memory_space<vmem>>) target_semaphore(%run_scoped3A : memref<!tpu.dma_semaphore, #tpu.memory_space<semaphore_mem>>)
        %dma_wait3A = tpu.memref_slice %arg2[%scan3A_26, %mul3A_29] : memref<8x786432xf32, #tpu.memory_space<hbm>> -> memref<1x24576xf32, #tpu.memory_space<hbm>>
        %dma_wait3A_41 = tpu.memref_squeeze %dma_wait3A : memref<1x24576xf32, #tpu.memory_space<hbm>> -> memref<24576xf32, #tpu.memory_space<hbm>>
        %dma_wait3A_42 = tpu.memref_slice %arg2[%scan3A_26, %mul3A_29] : memref<8x786432xf32, #tpu.memory_space<hbm>> -> memref<1x24576xf32, #tpu.memory_space<hbm>>
        %dma_wait3A_43 = tpu.memref_squeeze %dma_wait3A_42 : memref<1x24576xf32, #tpu.memory_space<hbm>> -> memref<24576xf32, #tpu.memory_space<hbm>>
        tpu.wait_dma2 semaphore(%run_scoped3A : memref<!tpu.dma_semaphore, #tpu.memory_space<semaphore_mem>>) src(%dma_wait3A_43 : memref<24576xf32, #tpu.memory_space<hbm>>) dst(%arg6 : memref<24576xf32, #tpu.memory_space<vmem>>)
        tpu.yield
      }) : () -> ()
      %scan3A_30 = arith.constant 0 : i32
      %scan3A_31 = arith.constant 0 : i32
      %scan3A_32 = arith.constant 4 : i32
      %scan3A_33 = arith.addi %scan3A_31, %scan3A_32 : i32
      %scan3A_34 = arith.constant 1 : i32
      %scan3A_35 = scf.for %scan3A_38 = %scan3A_31 to %scan3A_33 step %scan3A_34 iter_args(%scan3A_39 = %scan3A_30) -> (i32)  : i32 {
        %mul3A_40 = arith.constant 2048 : i32
        %mul3A_41 = arith.muli %scan3A_38, %mul3A_40 : i32
        "tpu.region"() ({
          %run_scoped3A = tpu.sem_alloc : memref<!tpu.dma_semaphore, #tpu.memory_space<semaphore_mem>>
          %dma_start3A = tpu.memref_slice %arg3[%scan3A_26, %mul3A_41] : memref<8x8192xf32, #tpu.memory_space<hbm>> -> memref<1x2048xf32, #tpu.memory_space<hbm>>
          %dma_start3A_50 = tpu.memref_squeeze %dma_start3A : memref<1x2048xf32, #tpu.memory_space<hbm>> -> memref<2048xf32, #tpu.memory_space<hbm>>
          %dma_start3A_51 = tpu.memref_slice %arg3[%scan3A_26, %mul3A_41] : memref<8x8192xf32, #tpu.memory_space<hbm>> -> memref<1x2048xf32, #tpu.memory_space<hbm>>
          %dma_start3A_52 = tpu.memref_squeeze %dma_start3A_51 : memref<1x2048xf32, #tpu.memory_space<hbm>> -> memref<2048xf32, #tpu.memory_space<hbm>>
          tpu.enqueue_dma source(%dma_start3A_52 : memref<2048xf32, #tpu.memory_space<hbm>>) target(%arg7 : memref<2048xf32, #tpu.memory_space<vmem>>) target_semaphore(%run_scoped3A : memref<!tpu.dma_semaphore, #tpu.memory_space<semaphore_mem>>)
          %dma_wait3A = tpu.memref_slice %arg3[%scan3A_26, %mul3A_41] : memref<8x8192xf32, #tpu.memory_space<hbm>> -> memref<1x2048xf32, #tpu.memory_space<hbm>>
          %dma_wait3A_53 = tpu.memref_squeeze %dma_wait3A : memref<1x2048xf32, #tpu.memory_space<hbm>> -> memref<2048xf32, #tpu.memory_space<hbm>>
          %dma_wait3A_54 = tpu.memref_slice %arg3[%scan3A_26, %mul3A_41] : memref<8x8192xf32, #tpu.memory_space<hbm>> -> memref<1x2048xf32, #tpu.memory_space<hbm>>
          %dma_wait3A_55 = tpu.memref_squeeze %dma_wait3A_54 : memref<1x2048xf32, #tpu.memory_space<hbm>> -> memref<2048xf32, #tpu.memory_space<hbm>>
          tpu.wait_dma2 semaphore(%run_scoped3A : memref<!tpu.dma_semaphore, #tpu.memory_space<semaphore_mem>>) src(%dma_wait3A_55 : memref<2048xf32, #tpu.memory_space<hbm>>) dst(%arg7 : memref<2048xf32, #tpu.memory_space<vmem>>)
          tpu.yield
        }) : () -> ()
        "tpu.region"() ({
          %run_scoped3A = tpu.sem_alloc : memref<!tpu.dma_semaphore, #tpu.memory_space<semaphore_mem>>
          %dma_start3A = tpu.memref_slice %arg4[%scan3A_26, %mul3A_41] : memref<8x8192xf32, #tpu.memory_space<hbm>> -> memref<1x2048xf32, #tpu.memory_space<hbm>>
          %dma_start3A_50 = tpu.memref_squeeze %dma_start3A : memref<1x2048xf32, #tpu.memory_space<hbm>> -> memref<2048xf32, #tpu.memory_space<hbm>>
          %dma_start3A_51 = tpu.memref_slice %arg4[%scan3A_26, %mul3A_41] : memref<8x8192xf32, #tpu.memory_space<hbm>> -> memref<1x2048xf32, #tpu.memory_space<hbm>>
          %dma_start3A_52 = tpu.memref_squeeze %dma_start3A_51 : memref<1x2048xf32, #tpu.memory_space<hbm>> -> memref<2048xf32, #tpu.memory_space<hbm>>
          tpu.enqueue_dma source(%dma_start3A_52 : memref<2048xf32, #tpu.memory_space<hbm>>) target(%arg8 : memref<2048xf32, #tpu.memory_space<vmem>>) target_semaphore(%run_scoped3A : memref<!tpu.dma_semaphore, #tpu.memory_space<semaphore_mem>>)
          %dma_wait3A = tpu.memref_slice %arg4[%scan3A_26, %mul3A_41] : memref<8x8192xf32, #tpu.memory_space<hbm>> -> memref<1x2048xf32, #tpu.memory_space<hbm>>
          %dma_wait3A_53 = tpu.memref_squeeze %dma_wait3A : memref<1x2048xf32, #tpu.memory_space<hbm>> -> memref<2048xf32, #tpu.memory_space<hbm>>
          %dma_wait3A_54 = tpu.memref_slice %arg4[%scan3A_26, %mul3A_41] : memref<8x8192xf32, #tpu.memory_space<hbm>> -> memref<1x2048xf32, #tpu.memory_space<hbm>>
          %dma_wait3A_55 = tpu.memref_squeeze %dma_wait3A_54 : memref<1x2048xf32, #tpu.memory_space<hbm>> -> memref<2048xf32, #tpu.memory_space<hbm>>
          tpu.wait_dma2 semaphore(%run_scoped3A : memref<!tpu.dma_semaphore, #tpu.memory_space<semaphore_mem>>) src(%dma_wait3A_55 : memref<2048xf32, #tpu.memory_space<hbm>>) dst(%arg8 : memref<2048xf32, #tpu.memory_space<vmem>>)
          tpu.yield
        }) : () -> ()
        %scan3A_42 = arith.constant 0 : i32
        %scan3A_43 = arith.constant 0 : i32
        %scan3A_44 = arith.constant 128 : i32
        %scan3A_45 = arith.addi %scan3A_43, %scan3A_44 : i32
        %scan3A_46 = arith.constant 1 : i32
        %scan3A_47 = scf.for %scan3A_50 = %scan3A_43 to %scan3A_45 step %scan3A_46 iter_args(%scan3A_51 = %scan3A_42) -> (i32)  : i32 {
          %mul3A_52 = arith.constant 16 : i32
          %mul3A_53 = arith.muli %scan3A_50, %mul3A_52 : i32
          %get3A = arith.index_cast %mul3A_53 : i32 to index
          %get3A_54 = tpu.vector_load %arg7[%get3A] {strides = array<i32>} : memref<2048xf32, #tpu.memory_space<vmem>>, vector<16xf32>,
          %mul3A_55 = arith.mulf %get3A_54, %broadcast_in_dim3A_3 : vector<16xf32>
          %mul3A_56 = arith.constant 16 : i32
          %mul3A_57 = arith.muli %scan3A_50, %mul3A_56 : i32
          %get3A_58 = arith.index_cast %mul3A_57 : i32 to index
          %get3A_59 = tpu.vector_load %arg8[%get3A_58] {strides = array<i32>} : memref<2048xf32, #tpu.memory_space<vmem>>, vector<16xf32>,
          %mul3A_60 = arith.mulf %get3A_59, %broadcast_in_dim3A_3 : vector<16xf32>
          %convert_element_type3A = arith.fptosi %mul3A_55 : vector<16xf32> to vector<16xi32>
          %max3A = arith.maxsi %convert_element_type3A, %broadcast_in_dim3A_19 : vector<16xi32>
          %convert_element_type3A_61 = arith.fptosi %mul3A_60 : vector<16xf32> to vector<16xi32>
          %max3A_62 = arith.maxsi %convert_element_type3A_61, %broadcast_in_dim3A_19 : vector<16xi32>
          %convert_element_type3A_63 = arith.sitofp %max3A : vector<16xi32> to vector<16xf32>
          %convert_element_type3A_64 = arith.sitofp %max3A_62 : vector<16xi32> to vector<16xf32>
          %gt3A = arith.cmpf ogt, %mul3A_55, %convert_element_type3A_63 : vector<16xf32>
          %add3A_65 = arith.constant 1 : i32
          %add3A_66 = vector.broadcast %add3A_65 : i32 to vector<16xi32>
          %add3A_67 = arith.addi %max3A, %add3A_66 : vector<16xi32>
          %select_n3A = arith.select %gt3A, %add3A_67, %max3A : vector<16xi1>, vector<16xi32>
          %min3A = arith.minsi %select_n3A, %broadcast_in_dim3A_15 : vector<16xi32>
          %gt3A_68 = arith.cmpf ogt, %mul3A_60, %convert_element_type3A_64 : vector<16xf32>
          %add3A_69 = arith.constant 1 : i32
          %add3A_70 = vector.broadcast %add3A_69 : i32 to vector<16xi32>
          %add3A_71 = arith.addi %max3A_62, %add3A_70 : vector<16xi32>
          %select_n3A_72 = arith.select %gt3A_68, %add3A_71, %max3A_62 : vector<16xi1>, vector<16xi32>
          %min3A_73 = arith.minsi %select_n3A_72, %broadcast_in_dim3A_17 : vector<16xi32>
          %sub3A = arith.subf %mul3A_55, %convert_element_type3A_63 : vector<16xf32>
          %sub3A_74 = arith.subf %mul3A_60, %convert_element_type3A_64 : vector<16xf32>
          %gt3A_75 = arith.cmpf ogt, %mul3A_55, %broadcast_in_dim3A_11 : vector<16xf32>
          %select_n3A_76 = arith.select %gt3A_75, %broadcast_in_dim3A_7, %broadcast_in_dim3A_9 : vector<16xi1>, vector<16xf32>
          %gt3A_77 = arith.cmpf ogt, %mul3A_60, %broadcast_in_dim3A_11 : vector<16xf32>
          %select_n3A_78 = arith.select %gt3A_77, %broadcast_in_dim3A_7, %broadcast_in_dim3A_9 : vector<16xi1>, vector<16xf32>
          %add3A_79 = arith.addf %select_n3A_76, %select_n3A_78 : vector<16xf32>
          %sub3A_80 = arith.subf %broadcast_in_dim3A_5, %sub3A : vector<16xf32>
          %mul3A_81 = arith.mulf %sub3A_80, %add3A_79 : vector<16xf32>
          %mul3A_82 = arith.mulf %sub3A, %add3A_79 : vector<16xf32>
          %sub3A_83 = arith.subf %broadcast_in_dim3A_5, %sub3A_74 : vector<16xf32>
          %mul3A_84 = arith.mulf %mul3A_81, %sub3A_83 : vector<16xf32>
          %mul3A_85 = arith.mulf %mul3A_82, %sub3A_83 : vector<16xf32>
          %mul3A_86 = arith.mulf %mul3A_81, %sub3A_74 : vector<16xf32>
          %mul3A_87 = arith.mulf %mul3A_82, %sub3A_74 : vector<16xf32>
          %mul3A_88 = arith.muli %max3A_62, %broadcast_in_dim3A_13 : vector<16xi32>
          %mul3A_89 = arith.muli %min3A_73, %broadcast_in_dim3A_13 : vector<16xi32>
          %add3A_90 = arith.addi %mul3A_88, %max3A : vector<16xi32>
          %add3A_91 = arith.addi %mul3A_88, %min3A : vector<16xi32>
          %add3A_92 = arith.addi %mul3A_89, %max3A : vector<16xi32>
          %add3A_93 = arith.addi %mul3A_89, %min3A : vector<16xi32>
          %broadcast_in_dim3A_94 = arith.constant 0 : i32
          %broadcast_in_dim3A_95 = vector.broadcast %broadcast_in_dim3A_94 : i32 to vector<16xi32>
          %add3A_96 = arith.addi %add3A_90, %broadcast_in_dim3A_95 : vector<16xi32>
          %gather3A = tpu.vector_load_idx %arg6[%add3A_96] : memref<24576xf32, #tpu.memory_space<vmem>>[vector<16xi32>], vector<16xf32>,
          %mul3A_97 = arith.mulf %gather3A, %mul3A_84 : vector<16xf32>
          %add3A_98 = arith.addi %add3A_91, %broadcast_in_dim3A_95 : vector<16xi32>
          %gather3A_99 = tpu.vector_load_idx %arg6[%add3A_98] : memref<24576xf32, #tpu.memory_space<vmem>>[vector<16xi32>], vector<16xf32>,
          %mul3A_100 = arith.mulf %gather3A_99, %mul3A_85 : vector<16xf32>
          %add3A_101 = arith.addf %mul3A_97, %mul3A_100 : vector<16xf32>
          %add3A_102 = arith.addi %add3A_92, %broadcast_in_dim3A_95 : vector<16xi32>
          %gather3A_103 = tpu.vector_load_idx %arg6[%add3A_102] : memref<24576xf32, #tpu.memory_space<vmem>>[vector<16xi32>], vector<16xf32>,
          %mul3A_104 = arith.mulf %gather3A_103, %mul3A_86 : vector<16xf32>
          %add3A_105 = arith.addf %add3A_101, %mul3A_104 : vector<16xf32>
          %add3A_106 = arith.addi %add3A_93, %broadcast_in_dim3A_95 : vector<16xi32>
          %gather3A_107 = tpu.vector_load_idx %arg6[%add3A_106] : memref<24576xf32, #tpu.memory_space<vmem>>[vector<16xi32>], vector<16xf32>,
          %mul3A_108 = arith.mulf %gather3A_107, %mul3A_87 : vector<16xf32>
          %add3A_109 = arith.addf %add3A_105, %mul3A_108 : vector<16xf32>
          %mul3A_110 = arith.constant 16 : i32
          %mul3A_111 = arith.muli %scan3A_50, %mul3A_110 : i32
          %swap3A = arith.constant 0 : i32
          %swap3A_112 = arith.index_cast %swap3A : i32 to index
          %swap3A_113 = arith.index_cast %mul3A_111 : i32 to index
          %swap3A_114 = tpu.vector_load %arg9[%swap3A_112, %swap3A_113] {strides = array<i32>} : memref<24x2048xf32, #tpu.memory_space<vmem>>, vector<16xf32>,
          tpu.vector_store %arg9[%swap3A_112, %swap3A_113], %add3A_109 {strides = array<i32>} : memref<24x2048xf32, #tpu.memory_space<vmem>>, vector<16xf32>,
          %broadcast_in_dim3A_115 = arith.constant 1024 : i32
          %broadcast_in_dim3A_116 = vector.broadcast %broadcast_in_dim3A_115 : i32 to vector<16xi32>
          %add3A_117 = arith.addi %add3A_90, %broadcast_in_dim3A_116 : vector<16xi32>
          %gather3A_118 = tpu.vector_load_idx %arg6[%add3A_117] : memref<24576xf32, #tpu.memory_space<vmem>>[vector<16xi32>], vector<16xf32>,
          %mul3A_119 = arith.mulf %gather3A_118, %mul3A_84 : vector<16xf32>
          %add3A_120 = arith.addi %add3A_91, %broadcast_in_dim3A_116 : vector<16xi32>
          %gather3A_121 = tpu.vector_load_idx %arg6[%add3A_120] : memref<24576xf32, #tpu.memory_space<vmem>>[vector<16xi32>], vector<16xf32>,
          %mul3A_122 = arith.mulf %gather3A_121, %mul3A_85 : vector<16xf32>
          %add3A_123 = arith.addf %mul3A_119, %mul3A_122 : vector<16xf32>
          %add3A_124 = arith.addi %add3A_92, %broadcast_in_dim3A_116 : vector<16xi32>
          %gather3A_125 = tpu.vector_load_idx %arg6[%add3A_124] : memref<24576xf32, #tpu.memory_space<vmem>>[vector<16xi32>], vector<16xf32>,
          %mul3A_126 = arith.mulf %gather3A_125, %mul3A_86 : vector<16xf32>
          %add3A_127 = arith.addf %add3A_123, %mul3A_126 : vector<16xf32>
          %add3A_128 = arith.addi %add3A_93, %broadcast_in_dim3A_116 : vector<16xi32>
          %gather3A_129 = tpu.vector_load_idx %arg6[%add3A_128] : memref<24576xf32, #tpu.memory_space<vmem>>[vector<16xi32>], vector<16xf32>,
          %mul3A_130 = arith.mulf %gather3A_129, %mul3A_87 : vector<16xf32>
          %add3A_131 = arith.addf %add3A_127, %mul3A_130 : vector<16xf32>
          %mul3A_132 = arith.constant 16 : i32
          %mul3A_133 = arith.muli %scan3A_50, %mul3A_132 : i32
          %swap3A_134 = arith.constant 1 : i32
          %swap3A_135 = arith.index_cast %swap3A_134 : i32 to index
          %swap3A_136 = arith.index_cast %mul3A_133 : i32 to index
          %swap3A_137 = tpu.vector_load %arg9[%swap3A_135, %swap3A_136] {strides = array<i32>} : memref<24x2048xf32, #tpu.memory_space<vmem>>, vector<16xf32>,
          tpu.vector_store %arg9[%swap3A_135, %swap3A_136], %add3A_131 {strides = array<i32>} : memref<24x2048xf32, #tpu.memory_space<vmem>>, vector<16xf32>,
          %broadcast_in_dim3A_138 = arith.constant 2048 : i32
          %broadcast_in_dim3A_139 = vector.broadcast %broadcast_in_dim3A_138 : i32 to vector<16xi32>
          %add3A_140 = arith.addi %add3A_90, %broadcast_in_dim3A_139 : vector<16xi32>
          %gather3A_141 = tpu.vector_load_idx %arg6[%add3A_140] : memref<24576xf32, #tpu.memory_space<vmem>>[vector<16xi32>], vector<16xf32>,
          %mul3A_142 = arith.mulf %gather3A_141, %mul3A_84 : vector<16xf32>
          %add3A_143 = arith.addi %add3A_91, %broadcast_in_dim3A_139 : vector<16xi32>
          %gather3A_144 = tpu.vector_load_idx %arg6[%add3A_143] : memref<24576xf32, #tpu.memory_space<vmem>>[vector<16xi32>], vector<16xf32>,
          %mul3A_145 = arith.mulf %gather3A_144, %mul3A_85 : vector<16xf32>
          %add3A_146 = arith.addf %mul3A_142, %mul3A_145 : vector<16xf32>
          %add3A_147 = arith.addi %add3A_92, %broadcast_in_dim3A_139 : vector<16xi32>
          %gather3A_148 = tpu.vector_load_idx %arg6[%add3A_147] : memref<24576xf32, #tpu.memory_space<vmem>>[vector<16xi32>], vector<16xf32>,
          %mul3A_149 = arith.mulf %gather3A_148, %mul3A_86 : vector<16xf32>
          %add3A_150 = arith.addf %add3A_146, %mul3A_149 : vector<16xf32>
          %add3A_151 = arith.addi %add3A_93, %broadcast_in_dim3A_139 : vector<16xi32>
          %gather3A_152 = tpu.vector_load_idx %arg6[%add3A_151] : memref<24576xf32, #tpu.memory_space<vmem>>[vector<16xi32>], vector<16xf32>,
          %mul3A_153 = arith.mulf %gather3A_152, %mul3A_87 : vector<16xf32>
          %add3A_154 = arith.addf %add3A_150, %mul3A_153 : vector<16xf32>
          %mul3A_155 = arith.constant 16 : i32
          %mul3A_156 = arith.muli %scan3A_50, %mul3A_155 : i32
          %swap3A_157 = arith.constant 2 : i32
          %swap3A_158 = arith.index_cast %swap3A_157 : i32 to index
          %swap3A_159 = arith.index_cast %mul3A_156 : i32 to index
          %swap3A_160 = tpu.vector_load %arg9[%swap3A_158, %swap3A_159] {strides = array<i32>} : memref<24x2048xf32, #tpu.memory_space<vmem>>, vector<16xf32>,
          tpu.vector_store %arg9[%swap3A_158, %swap3A_159], %add3A_154 {strides = array<i32>} : memref<24x2048xf32, #tpu.memory_space<vmem>>, vector<16xf32>,
          %broadcast_in_dim3A_161 = arith.constant 3072 : i32
          %broadcast_in_dim3A_162 = vector.broadcast %broadcast_in_dim3A_161 : i32 to vector<16xi32>
          %add3A_163 = arith.addi %add3A_90, %broadcast_in_dim3A_162 : vector<16xi32>
          %gather3A_164 = tpu.vector_load_idx %arg6[%add3A_163] : memref<24576xf32, #tpu.memory_space<vmem>>[vector<16xi32>], vector<16xf32>,
          %mul3A_165 = arith.mulf %gather3A_164, %mul3A_84 : vector<16xf32>
          %add3A_166 = arith.addi %add3A_91, %broadcast_in_dim3A_162 : vector<16xi32>
          %gather3A_167 = tpu.vector_load_idx %arg6[%add3A_166] : memref<24576xf32, #tpu.memory_space<vmem>>[vector<16xi32>], vector<16xf32>,
          %mul3A_168 = arith.mulf %gather3A_167, %mul3A_85 : vector<16xf32>
          %add3A_169 = arith.addf %mul3A_165, %mul3A_168 : vector<16xf32>
          %add3A_170 = arith.addi %add3A_92, %broadcast_in_dim3A_162 : vector<16xi32>
          %gather3A_171 = tpu.vector_load_idx %arg6[%add3A_170] : memref<24576xf32, #tpu.memory_space<vmem>>[vector<16xi32>], vector<16xf32>,
          %mul3A_172 = arith.mulf %gather3A_171, %mul3A_86 : vector<16xf32>
          %add3A_173 = arith.addf %add3A_169, %mul3A_172 : vector<16xf32>
          %add3A_174 = arith.addi %add3A_93, %broadcast_in_dim3A_162 : vector<16xi32>
          %gather3A_175 = tpu.vector_load_idx %arg6[%add3A_174] : memref<24576xf32, #tpu.memory_space<vmem>>[vector<16xi32>], vector<16xf32>,
          %mul3A_176 = arith.mulf %gather3A_175, %mul3A_87 : vector<16xf32>
          %add3A_177 = arith.addf %add3A_173, %mul3A_176 : vector<16xf32>
          %mul3A_178 = arith.constant 16 : i32
          %mul3A_179 = arith.muli %scan3A_50, %mul3A_178 : i32
          %swap3A_180 = arith.constant 3 : i32
          %swap3A_181 = arith.index_cast %swap3A_180 : i32 to index
          %swap3A_182 = arith.index_cast %mul3A_179 : i32 to index
          %swap3A_183 = tpu.vector_load %arg9[%swap3A_181, %swap3A_182] {strides = array<i32>} : memref<24x2048xf32, #tpu.memory_space<vmem>>, vector<16xf32>,
          tpu.vector_store %arg9[%swap3A_181, %swap3A_182], %add3A_177 {strides = array<i32>} : memref<24x2048xf32, #tpu.memory_space<vmem>>, vector<16xf32>,
          %broadcast_in_dim3A_184 = arith.constant 4096 : i32
          %broadcast_in_dim3A_185 = vector.broadcast %broadcast_in_dim3A_184 : i32 to vector<16xi32>
          %add3A_186 = arith.addi %add3A_90, %broadcast_in_dim3A_185 : vector<16xi32>
          %gather3A_187 = tpu.vector_load_idx %arg6[%add3A_186] : memref<24576xf32, #tpu.memory_space<vmem>>[vector<16xi32>], vector<16xf32>,
          %mul3A_188 = arith.mulf %gather3A_187, %mul3A_84 : vector<16xf32>
          %add3A_189 = arith.addi %add3A_91, %broadcast_in_dim3A_185 : vector<16xi32>
          %gather3A_190 = tpu.vector_load_idx %arg6[%add3A_189] : memref<24576xf32, #tpu.memory_space<vmem>>[vector<16xi32>], vector<16xf32>,
          %mul3A_191 = arith.mulf %gather3A_190, %mul3A_85 : vector<16xf32>
          %add3A_192 = arith.addf %mul3A_188, %mul3A_191 : vector<16xf32>
          %add3A_193 = arith.addi %add3A_92, %broadcast_in_dim3A_185 : vector<16xi32>
          %gather3A_194 = tpu.vector_load_idx %arg6[%add3A_193] : memref<24576xf32, #tpu.memory_space<vmem>>[vector<16xi32>], vector<16xf32>,
          %mul3A_195 = arith.mulf %gather3A_194, %mul3A_86 : vector<16xf32>
          %add3A_196 = arith.addf %add3A_192, %mul3A_195 : vector<16xf32>
          %add3A_197 = arith.addi %add3A_93, %broadcast_in_dim3A_185 : vector<16xi32>
          %gather3A_198 = tpu.vector_load_idx %arg6[%add3A_197] : memref<24576xf32, #tpu.memory_space<vmem>>[vector<16xi32>], vector<16xf32>,
          %mul3A_199 = arith.mulf %gather3A_198, %mul3A_87 : vector<16xf32>
          %add3A_200 = arith.addf %add3A_196, %mul3A_199 : vector<16xf32>
          %mul3A_201 = arith.constant 16 : i32
          %mul3A_202 = arith.muli %scan3A_50, %mul3A_201 : i32
          %swap3A_203 = arith.constant 4 : i32
          %swap3A_204 = arith.index_cast %swap3A_203 : i32 to index
          %swap3A_205 = arith.index_cast %mul3A_202 : i32 to index
          %swap3A_206 = tpu.vector_load %arg9[%swap3A_204, %swap3A_205] {strides = array<i32>} : memref<24x2048xf32, #tpu.memory_space<vmem>>, vector<16xf32>,
          tpu.vector_store %arg9[%swap3A_204, %swap3A_205], %add3A_200 {strides = array<i32>} : memref<24x2048xf32, #tpu.memory_space<vmem>>, vector<16xf32>,
          %broadcast_in_dim3A_207 = arith.constant 5120 : i32
          %broadcast_in_dim3A_208 = vector.broadcast %broadcast_in_dim3A_207 : i32 to vector<16xi32>
          %add3A_209 = arith.addi %add3A_90, %broadcast_in_dim3A_208 : vector<16xi32>
          %gather3A_210 = tpu.vector_load_idx %arg6[%add3A_209] : memref<24576xf32, #tpu.memory_space<vmem>>[vector<16xi32>], vector<16xf32>,
          %mul3A_211 = arith.mulf %gather3A_210, %mul3A_84 : vector<16xf32>
          %add3A_212 = arith.addi %add3A_91, %broadcast_in_dim3A_208 : vector<16xi32>
          %gather3A_213 = tpu.vector_load_idx %arg6[%add3A_212] : memref<24576xf32, #tpu.memory_space<vmem>>[vector<16xi32>], vector<16xf32>,
          %mul3A_214 = arith.mulf %gather3A_213, %mul3A_85 : vector<16xf32>
          %add3A_215 = arith.addf %mul3A_211, %mul3A_214 : vector<16xf32>
          %add3A_216 = arith.addi %add3A_92, %broadcast_in_dim3A_208 : vector<16xi32>
          %gather3A_217 = tpu.vector_load_idx %arg6[%add3A_216] : memref<24576xf32, #tpu.memory_space<vmem>>[vector<16xi32>], vector<16xf32>,
          %mul3A_218 = arith.mulf %gather3A_217, %mul3A_86 : vector<16xf32>
          %add3A_219 = arith.addf %add3A_215, %mul3A_218 : vector<16xf32>
          %add3A_220 = arith.addi %add3A_93, %broadcast_in_dim3A_208 : vector<16xi32>
          %gather3A_221 = tpu.vector_load_idx %arg6[%add3A_220] : memref<24576xf32, #tpu.memory_space<vmem>>[vector<16xi32>], vector<16xf32>,
          %mul3A_222 = arith.mulf %gather3A_221, %mul3A_87 : vector<16xf32>
          %add3A_223 = arith.addf %add3A_219, %mul3A_222 : vector<16xf32>
          %mul3A_224 = arith.constant 16 : i32
          %mul3A_225 = arith.muli %scan3A_50, %mul3A_224 : i32
          %swap3A_226 = arith.constant 5 : i32
          %swap3A_227 = arith.index_cast %swap3A_226 : i32 to index
          %swap3A_228 = arith.index_cast %mul3A_225 : i32 to index
          %swap3A_229 = tpu.vector_load %arg9[%swap3A_227, %swap3A_228] {strides = array<i32>} : memref<24x2048xf32, #tpu.memory_space<vmem>>, vector<16xf32>,
          tpu.vector_store %arg9[%swap3A_227, %swap3A_228], %add3A_223 {strides = array<i32>} : memref<24x2048xf32, #tpu.memory_space<vmem>>, vector<16xf32>,
          %broadcast_in_dim3A_230 = arith.constant 6144 : i32
          %broadcast_in_dim3A_231 = vector.broadcast %broadcast_in_dim3A_230 : i32 to vector<16xi32>
          %add3A_232 = arith.addi %add3A_90, %broadcast_in_dim3A_231 : vector<16xi32>
          %gather3A_233 = tpu.vector_load_idx %arg6[%add3A_232] : memref<24576xf32, #tpu.memory_space<vmem>>[vector<16xi32>], vector<16xf32>,
          %mul3A_234 = arith.mulf %gather3A_233, %mul3A_84 : vector<16xf32>
          %add3A_235 = arith.addi %add3A_91, %broadcast_in_dim3A_231 : vector<16xi32>
          %gather3A_236 = tpu.vector_load_idx %arg6[%add3A_235] : memref<24576xf32, #tpu.memory_space<vmem>>[vector<16xi32>], vector<16xf32>,
          %mul3A_237 = arith.mulf %gather3A_236, %mul3A_85 : vector<16xf32>
          %add3A_238 = arith.addf %mul3A_234, %mul3A_237 : vector<16xf32>
          %add3A_239 = arith.addi %add3A_92, %broadcast_in_dim3A_231 : vector<16xi32>
          %gather3A_240 = tpu.vector_load_idx %arg6[%add3A_239] : memref<24576xf32, #tpu.memory_space<vmem>>[vector<16xi32>], vector<16xf32>,
          %mul3A_241 = arith.mulf %gather3A_240, %mul3A_86 : vector<16xf32>
          %add3A_242 = arith.addf %add3A_238, %mul3A_241 : vector<16xf32>
          %add3A_243 = arith.addi %add3A_93, %broadcast_in_dim3A_231 : vector<16xi32>
          %gather3A_244 = tpu.vector_load_idx %arg6[%add3A_243] : memref<24576xf32, #tpu.memory_space<vmem>>[vector<16xi32>], vector<16xf32>,
          %mul3A_245 = arith.mulf %gather3A_244, %mul3A_87 : vector<16xf32>
          %add3A_246 = arith.addf %add3A_242, %mul3A_245 : vector<16xf32>
          %mul3A_247 = arith.constant 16 : i32
          %mul3A_248 = arith.muli %scan3A_50, %mul3A_247 : i32
          %swap3A_249 = arith.constant 6 : i32
          %swap3A_250 = arith.index_cast %swap3A_249 : i32 to index
          %swap3A_251 = arith.index_cast %mul3A_248 : i32 to index
          %swap3A_252 = tpu.vector_load %arg9[%swap3A_250, %swap3A_251] {strides = array<i32>} : memref<24x2048xf32, #tpu.memory_space<vmem>>, vector<16xf32>,
          tpu.vector_store %arg9[%swap3A_250, %swap3A_251], %add3A_246 {strides = array<i32>} : memref<24x2048xf32, #tpu.memory_space<vmem>>, vector<16xf32>,
          %broadcast_in_dim3A_253 = arith.constant 7168 : i32
          %broadcast_in_dim3A_254 = vector.broadcast %broadcast_in_dim3A_253 : i32 to vector<16xi32>
          %add3A_255 = arith.addi %add3A_90, %broadcast_in_dim3A_254 : vector<16xi32>
          %gather3A_256 = tpu.vector_load_idx %arg6[%add3A_255] : memref<24576xf32, #tpu.memory_space<vmem>>[vector<16xi32>], vector<16xf32>,
          %mul3A_257 = arith.mulf %gather3A_256, %mul3A_84 : vector<16xf32>
          %add3A_258 = arith.addi %add3A_91, %broadcast_in_dim3A_254 : vector<16xi32>
          %gather3A_259 = tpu.vector_load_idx %arg6[%add3A_258] : memref<24576xf32, #tpu.memory_space<vmem>>[vector<16xi32>], vector<16xf32>,
          %mul3A_260 = arith.mulf %gather3A_259, %mul3A_85 : vector<16xf32>
          %add3A_261 = arith.addf %mul3A_257, %mul3A_260 : vector<16xf32>
          %add3A_262 = arith.addi %add3A_92, %broadcast_in_dim3A_254 : vector<16xi32>
          %gather3A_263 = tpu.vector_load_idx %arg6[%add3A_262] : memref<24576xf32, #tpu.memory_space<vmem>>[vector<16xi32>], vector<16xf32>,
          %mul3A_264 = arith.mulf %gather3A_263, %mul3A_86 : vector<16xf32>
          %add3A_265 = arith.addf %add3A_261, %mul3A_264 : vector<16xf32>
          %add3A_266 = arith.addi %add3A_93, %broadcast_in_dim3A_254 : vector<16xi32>
          %gather3A_267 = tpu.vector_load_idx %arg6[%add3A_266] : memref<24576xf32, #tpu.memory_space<vmem>>[vector<16xi32>], vector<16xf32>,
          %mul3A_268 = arith.mulf %gather3A_267, %mul3A_87 : vector<16xf32>
          %add3A_269 = arith.addf %add3A_265, %mul3A_268 : vector<16xf32>
          %mul3A_270 = arith.constant 16 : i32
          %mul3A_271 = arith.muli %scan3A_50, %mul3A_270 : i32
          %swap3A_272 = arith.constant 7 : i32
          %swap3A_273 = arith.index_cast %swap3A_272 : i32 to index
          %swap3A_274 = arith.index_cast %mul3A_271 : i32 to index
          %swap3A_275 = tpu.vector_load %arg9[%swap3A_273, %swap3A_274] {strides = array<i32>} : memref<24x2048xf32, #tpu.memory_space<vmem>>, vector<16xf32>,
          tpu.vector_store %arg9[%swap3A_273, %swap3A_274], %add3A_269 {strides = array<i32>} : memref<24x2048xf32, #tpu.memory_space<vmem>>, vector<16xf32>,
          %broadcast_in_dim3A_276 = arith.constant 8192 : i32
          %broadcast_in_dim3A_277 = vector.broadcast %broadcast_in_dim3A_276 : i32 to vector<16xi32>
          %add3A_278 = arith.addi %add3A_90, %broadcast_in_dim3A_277 : vector<16xi32>
          %gather3A_279 = tpu.vector_load_idx %arg6[%add3A_278] : memref<24576xf32, #tpu.memory_space<vmem>>[vector<16xi32>], vector<16xf32>,
          %mul3A_280 = arith.mulf %gather3A_279, %mul3A_84 : vector<16xf32>
          %add3A_281 = arith.addi %add3A_91, %broadcast_in_dim3A_277 : vector<16xi32>
          %gather3A_282 = tpu.vector_load_idx %arg6[%add3A_281] : memref<24576xf32, #tpu.memory_space<vmem>>[vector<16xi32>], vector<16xf32>,
          %mul3A_283 = arith.mulf %gather3A_282, %mul3A_85 : vector<16xf32>
          %add3A_284 = arith.addf %mul3A_280, %mul3A_283 : vector<16xf32>
          %add3A_285 = arith.addi %add3A_92, %broadcast_in_dim3A_277 : vector<16xi32>
          %gather3A_286 = tpu.vector_load_idx %arg6[%add3A_285] : memref<24576xf32, #tpu.memory_space<vmem>>[vector<16xi32>], vector<16xf32>,
          %mul3A_287 = arith.mulf %gather3A_286, %mul3A_86 : vector<16xf32>
          %add3A_288 = arith.addf %add3A_284, %mul3A_287 : vector<16xf32>
          %add3A_289 = arith.addi %add3A_93, %broadcast_in_dim3A_277 : vector<16xi32>
          %gather3A_290 = tpu.vector_load_idx %arg6[%add3A_289] : memref<24576xf32, #tpu.memory_space<vmem>>[vector<16xi32>], vector<16xf32>,
          %mul3A_291 = arith.mulf %gather3A_290, %mul3A_87 : vector<16xf32>
          %add3A_292 = arith.addf %add3A_288, %mul3A_291 : vector<16xf32>
          %mul3A_293 = arith.constant 16 : i32
          %mul3A_294 = arith.muli %scan3A_50, %mul3A_293 : i32
          %swap3A_295 = arith.constant 8 : i32
          %swap3A_296 = arith.index_cast %swap3A_295 : i32 to index
          %swap3A_297 = arith.index_cast %mul3A_294 : i32 to index
          %swap3A_298 = tpu.vector_load %arg9[%swap3A_296, %swap3A_297] {strides = array<i32>} : memref<24x2048xf32, #tpu.memory_space<vmem>>, vector<16xf32>,
          tpu.vector_store %arg9[%swap3A_296, %swap3A_297], %add3A_292 {strides = array<i32>} : memref<24x2048xf32, #tpu.memory_space<vmem>>, vector<16xf32>,
          %broadcast_in_dim3A_299 = arith.constant 9216 : i32
          %broadcast_in_dim3A_300 = vector.broadcast %broadcast_in_dim3A_299 : i32 to vector<16xi32>
          %add3A_301 = arith.addi %add3A_90, %broadcast_in_dim3A_300 : vector<16xi32>
          %gather3A_302 = tpu.vector_load_idx %arg6[%add3A_301] : memref<24576xf32, #tpu.memory_space<vmem>>[vector<16xi32>], vector<16xf32>,
          %mul3A_303 = arith.mulf %gather3A_302, %mul3A_84 : vector<16xf32>
          %add3A_304 = arith.addi %add3A_91, %broadcast_in_dim3A_300 : vector<16xi32>
          %gather3A_305 = tpu.vector_load_idx %arg6[%add3A_304] : memref<24576xf32, #tpu.memory_space<vmem>>[vector<16xi32>], vector<16xf32>,
          %mul3A_306 = arith.mulf %gather3A_305, %mul3A_85 : vector<16xf32>
          %add3A_307 = arith.addf %mul3A_303, %mul3A_306 : vector<16xf32>
          %add3A_308 = arith.addi %add3A_92, %broadcast_in_dim3A_300 : vector<16xi32>
          %gather3A_309 = tpu.vector_load_idx %arg6[%add3A_308] : memref<24576xf32, #tpu.memory_space<vmem>>[vector<16xi32>], vector<16xf32>,
          %mul3A_310 = arith.mulf %gather3A_309, %mul3A_86 : vector<16xf32>
          %add3A_311 = arith.addf %add3A_307, %mul3A_310 : vector<16xf32>
          %add3A_312 = arith.addi %add3A_93, %broadcast_in_dim3A_300 : vector<16xi32>
          %gather3A_313 = tpu.vector_load_idx %arg6[%add3A_312] : memref<24576xf32, #tpu.memory_space<vmem>>[vector<16xi32>], vector<16xf32>,
          %mul3A_314 = arith.mulf %gather3A_313, %mul3A_87 : vector<16xf32>
          %add3A_315 = arith.addf %add3A_311, %mul3A_314 : vector<16xf32>
          %mul3A_316 = arith.constant 16 : i32
          %mul3A_317 = arith.muli %scan3A_50, %mul3A_316 : i32
          %swap3A_318 = arith.constant 9 : i32
          %swap3A_319 = arith.index_cast %swap3A_318 : i32 to index
          %swap3A_320 = arith.index_cast %mul3A_317 : i32 to index
          %swap3A_321 = tpu.vector_load %arg9[%swap3A_319, %swap3A_320] {strides = array<i32>} : memref<24x2048xf32, #tpu.memory_space<vmem>>, vector<16xf32>,
          tpu.vector_store %arg9[%swap3A_319, %swap3A_320], %add3A_315 {strides = array<i32>} : memref<24x2048xf32, #tpu.memory_space<vmem>>, vector<16xf32>,
          %broadcast_in_dim3A_322 = arith.constant 10240 : i32
          %broadcast_in_dim3A_323 = vector.broadcast %broadcast_in_dim3A_322 : i32 to vector<16xi32>
          %add3A_324 = arith.addi %add3A_90, %broadcast_in_dim3A_323 : vector<16xi32>
          %gather3A_325 = tpu.vector_load_idx %arg6[%add3A_324] : memref<24576xf32, #tpu.memory_space<vmem>>[vector<16xi32>], vector<16xf32>,
          %mul3A_326 = arith.mulf %gather3A_325, %mul3A_84 : vector<16xf32>
          %add3A_327 = arith.addi %add3A_91, %broadcast_in_dim3A_323 : vector<16xi32>
          %gather3A_328 = tpu.vector_load_idx %arg6[%add3A_327] : memref<24576xf32, #tpu.memory_space<vmem>>[vector<16xi32>], vector<16xf32>,
          %mul3A_329 = arith.mulf %gather3A_328, %mul3A_85 : vector<16xf32>
          %add3A_330 = arith.addf %mul3A_326, %mul3A_329 : vector<16xf32>
          %add3A_331 = arith.addi %add3A_92, %broadcast_in_dim3A_323 : vector<16xi32>
          %gather3A_332 = tpu.vector_load_idx %arg6[%add3A_331] : memref<24576xf32, #tpu.memory_space<vmem>>[vector<16xi32>], vector<16xf32>,
          %mul3A_333 = arith.mulf %gather3A_332, %mul3A_86 : vector<16xf32>
          %add3A_334 = arith.addf %add3A_330, %mul3A_333 : vector<16xf32>
          %add3A_335 = arith.addi %add3A_93, %broadcast_in_dim3A_323 : vector<16xi32>
          %gather3A_336 = tpu.vector_load_idx %arg6[%add3A_335] : memref<24576xf32, #tpu.memory_space<vmem>>[vector<16xi32>], vector<16xf32>,
          %mul3A_337 = arith.mulf %gather3A_336, %mul3A_87 : vector<16xf32>
          %add3A_338 = arith.addf %add3A_334, %mul3A_337 : vector<16xf32>
          %mul3A_339 = arith.constant 16 : i32
          %mul3A_340 = arith.muli %scan3A_50, %mul3A_339 : i32
          %swap3A_341 = arith.constant 10 : i32
          %swap3A_342 = arith.index_cast %swap3A_341 : i32 to index
          %swap3A_343 = arith.index_cast %mul3A_340 : i32 to index
          %swap3A_344 = tpu.vector_load %arg9[%swap3A_342, %swap3A_343] {strides = array<i32>} : memref<24x2048xf32, #tpu.memory_space<vmem>>, vector<16xf32>,
          tpu.vector_store %arg9[%swap3A_342, %swap3A_343], %add3A_338 {strides = array<i32>} : memref<24x2048xf32, #tpu.memory_space<vmem>>, vector<16xf32>,
          %broadcast_in_dim3A_345 = arith.constant 11264 : i32
          %broadcast_in_dim3A_346 = vector.broadcast %broadcast_in_dim3A_345 : i32 to vector<16xi32>
          %add3A_347 = arith.addi %add3A_90, %broadcast_in_dim3A_346 : vector<16xi32>
          %gather3A_348 = tpu.vector_load_idx %arg6[%add3A_347] : memref<24576xf32, #tpu.memory_space<vmem>>[vector<16xi32>], vector<16xf32>,
          %mul3A_349 = arith.mulf %gather3A_348, %mul3A_84 : vector<16xf32>
          %add3A_350 = arith.addi %add3A_91, %broadcast_in_dim3A_346 : vector<16xi32>
          %gather3A_351 = tpu.vector_load_idx %arg6[%add3A_350] : memref<24576xf32, #tpu.memory_space<vmem>>[vector<16xi32>], vector<16xf32>,
          %mul3A_352 = arith.mulf %gather3A_351, %mul3A_85 : vector<16xf32>
          %add3A_353 = arith.addf %mul3A_349, %mul3A_352 : vector<16xf32>
          %add3A_354 = arith.addi %add3A_92, %broadcast_in_dim3A_346 : vector<16xi32>
          %gather3A_355 = tpu.vector_load_idx %arg6[%add3A_354] : memref<24576xf32, #tpu.memory_space<vmem>>[vector<16xi32>], vector<16xf32>,
          %mul3A_356 = arith.mulf %gather3A_355, %mul3A_86 : vector<16xf32>
          %add3A_357 = arith.addf %add3A_353, %mul3A_356 : vector<16xf32>
          %add3A_358 = arith.addi %add3A_93, %broadcast_in_dim3A_346 : vector<16xi32>
          %gather3A_359 = tpu.vector_load_idx %arg6[%add3A_358] : memref<24576xf32, #tpu.memory_space<vmem>>[vector<16xi32>], vector<16xf32>,
          %mul3A_360 = arith.mulf %gather3A_359, %mul3A_87 : vector<16xf32>
          %add3A_361 = arith.addf %add3A_357, %mul3A_360 : vector<16xf32>
          %mul3A_362 = arith.constant 16 : i32
          %mul3A_363 = arith.muli %scan3A_50, %mul3A_362 : i32
          %swap3A_364 = arith.constant 11 : i32
          %swap3A_365 = arith.index_cast %swap3A_364 : i32 to index
          %swap3A_366 = arith.index_cast %mul3A_363 : i32 to index
          %swap3A_367 = tpu.vector_load %arg9[%swap3A_365, %swap3A_366] {strides = array<i32>} : memref<24x2048xf32, #tpu.memory_space<vmem>>, vector<16xf32>,
          tpu.vector_store %arg9[%swap3A_365, %swap3A_366], %add3A_361 {strides = array<i32>} : memref<24x2048xf32, #tpu.memory_space<vmem>>, vector<16xf32>,
          %broadcast_in_dim3A_368 = arith.constant 12288 : i32
          %broadcast_in_dim3A_369 = vector.broadcast %broadcast_in_dim3A_368 : i32 to vector<16xi32>
          %add3A_370 = arith.addi %add3A_90, %broadcast_in_dim3A_369 : vector<16xi32>
          %gather3A_371 = tpu.vector_load_idx %arg6[%add3A_370] : memref<24576xf32, #tpu.memory_space<vmem>>[vector<16xi32>], vector<16xf32>,
          %mul3A_372 = arith.mulf %gather3A_371, %mul3A_84 : vector<16xf32>
          %add3A_373 = arith.addi %add3A_91, %broadcast_in_dim3A_369 : vector<16xi32>
          %gather3A_374 = tpu.vector_load_idx %arg6[%add3A_373] : memref<24576xf32, #tpu.memory_space<vmem>>[vector<16xi32>], vector<16xf32>,
          %mul3A_375 = arith.mulf %gather3A_374, %mul3A_85 : vector<16xf32>
          %add3A_376 = arith.addf %mul3A_372, %mul3A_375 : vector<16xf32>
          %add3A_377 = arith.addi %add3A_92, %broadcast_in_dim3A_369 : vector<16xi32>
          %gather3A_378 = tpu.vector_load_idx %arg6[%add3A_377] : memref<24576xf32, #tpu.memory_space<vmem>>[vector<16xi32>], vector<16xf32>,
          %mul3A_379 = arith.mulf %gather3A_378, %mul3A_86 : vector<16xf32>
          %add3A_380 = arith.addf %add3A_376, %mul3A_379 : vector<16xf32>
          %add3A_381 = arith.addi %add3A_93, %broadcast_in_dim3A_369 : vector<16xi32>
          %gather3A_382 = tpu.vector_load_idx %arg6[%add3A_381] : memref<24576xf32, #tpu.memory_space<vmem>>[vector<16xi32>], vector<16xf32>,
          %mul3A_383 = arith.mulf %gather3A_382, %mul3A_87 : vector<16xf32>
          %add3A_384 = arith.addf %add3A_380, %mul3A_383 : vector<16xf32>
          %mul3A_385 = arith.constant 16 : i32
          %mul3A_386 = arith.muli %scan3A_50, %mul3A_385 : i32
          %swap3A_387 = arith.constant 12 : i32
          %swap3A_388 = arith.index_cast %swap3A_387 : i32 to index
          %swap3A_389 = arith.index_cast %mul3A_386 : i32 to index
          %swap3A_390 = tpu.vector_load %arg9[%swap3A_388, %swap3A_389] {strides = array<i32>} : memref<24x2048xf32, #tpu.memory_space<vmem>>, vector<16xf32>,
          tpu.vector_store %arg9[%swap3A_388, %swap3A_389], %add3A_384 {strides = array<i32>} : memref<24x2048xf32, #tpu.memory_space<vmem>>, vector<16xf32>,
          %broadcast_in_dim3A_391 = arith.constant 13312 : i32
          %broadcast_in_dim3A_392 = vector.broadcast %broadcast_in_dim3A_391 : i32 to vector<16xi32>
          %add3A_393 = arith.addi %add3A_90, %broadcast_in_dim3A_392 : vector<16xi32>
          %gather3A_394 = tpu.vector_load_idx %arg6[%add3A_393] : memref<24576xf32, #tpu.memory_space<vmem>>[vector<16xi32>], vector<16xf32>,
          %mul3A_395 = arith.mulf %gather3A_394, %mul3A_84 : vector<16xf32>
          %add3A_396 = arith.addi %add3A_91, %broadcast_in_dim3A_392 : vector<16xi32>
          %gather3A_397 = tpu.vector_load_idx %arg6[%add3A_396] : memref<24576xf32, #tpu.memory_space<vmem>>[vector<16xi32>], vector<16xf32>,
          %mul3A_398 = arith.mulf %gather3A_397, %mul3A_85 : vector<16xf32>
          %add3A_399 = arith.addf %mul3A_395, %mul3A_398 : vector<16xf32>
          %add3A_400 = arith.addi %add3A_92, %broadcast_in_dim3A_392 : vector<16xi32>
          %gather3A_401 = tpu.vector_load_idx %arg6[%add3A_400] : memref<24576xf32, #tpu.memory_space<vmem>>[vector<16xi32>], vector<16xf32>,
          %mul3A_402 = arith.mulf %gather3A_401, %mul3A_86 : vector<16xf32>
          %add3A_403 = arith.addf %add3A_399, %mul3A_402 : vector<16xf32>
          %add3A_404 = arith.addi %add3A_93, %broadcast_in_dim3A_392 : vector<16xi32>
          %gather3A_405 = tpu.vector_load_idx %arg6[%add3A_404] : memref<24576xf32, #tpu.memory_space<vmem>>[vector<16xi32>], vector<16xf32>,
          %mul3A_406 = arith.mulf %gather3A_405, %mul3A_87 : vector<16xf32>
          %add3A_407 = arith.addf %add3A_403, %mul3A_406 : vector<16xf32>
          %mul3A_408 = arith.constant 16 : i32
          %mul3A_409 = arith.muli %scan3A_50, %mul3A_408 : i32
          %swap3A_410 = arith.constant 13 : i32
          %swap3A_411 = arith.index_cast %swap3A_410 : i32 to index
          %swap3A_412 = arith.index_cast %mul3A_409 : i32 to index
          %swap3A_413 = tpu.vector_load %arg9[%swap3A_411, %swap3A_412] {strides = array<i32>} : memref<24x2048xf32, #tpu.memory_space<vmem>>, vector<16xf32>,
          tpu.vector_store %arg9[%swap3A_411, %swap3A_412], %add3A_407 {strides = array<i32>} : memref<24x2048xf32, #tpu.memory_space<vmem>>, vector<16xf32>,
          %broadcast_in_dim3A_414 = arith.constant 14336 : i32
          %broadcast_in_dim3A_415 = vector.broadcast %broadcast_in_dim3A_414 : i32 to vector<16xi32>
          %add3A_416 = arith.addi %add3A_90, %broadcast_in_dim3A_415 : vector<16xi32>
          %gather3A_417 = tpu.vector_load_idx %arg6[%add3A_416] : memref<24576xf32, #tpu.memory_space<vmem>>[vector<16xi32>], vector<16xf32>,
          %mul3A_418 = arith.mulf %gather3A_417, %mul3A_84 : vector<16xf32>
          %add3A_419 = arith.addi %add3A_91, %broadcast_in_dim3A_415 : vector<16xi32>
          %gather3A_420 = tpu.vector_load_idx %arg6[%add3A_419] : memref<24576xf32, #tpu.memory_space<vmem>>[vector<16xi32>], vector<16xf32>,
          %mul3A_421 = arith.mulf %gather3A_420, %mul3A_85 : vector<16xf32>
          %add3A_422 = arith.addf %mul3A_418, %mul3A_421 : vector<16xf32>
          %add3A_423 = arith.addi %add3A_92, %broadcast_in_dim3A_415 : vector<16xi32>
          %gather3A_424 = tpu.vector_load_idx %arg6[%add3A_423] : memref<24576xf32, #tpu.memory_space<vmem>>[vector<16xi32>], vector<16xf32>,
          %mul3A_425 = arith.mulf %gather3A_424, %mul3A_86 : vector<16xf32>
          %add3A_426 = arith.addf %add3A_422, %mul3A_425 : vector<16xf32>
          %add3A_427 = arith.addi %add3A_93, %broadcast_in_dim3A_415 : vector<16xi32>
          %gather3A_428 = tpu.vector_load_idx %arg6[%add3A_427] : memref<24576xf32, #tpu.memory_space<vmem>>[vector<16xi32>], vector<16xf32>,
          %mul3A_429 = arith.mulf %gather3A_428, %mul3A_87 : vector<16xf32>
          %add3A_430 = arith.addf %add3A_426, %mul3A_429 : vector<16xf32>
          %mul3A_431 = arith.constant 16 : i32
          %mul3A_432 = arith.muli %scan3A_50, %mul3A_431 : i32
          %swap3A_433 = arith.constant 14 : i32
          %swap3A_434 = arith.index_cast %swap3A_433 : i32 to index
          %swap3A_435 = arith.index_cast %mul3A_432 : i32 to index
          %swap3A_436 = tpu.vector_load %arg9[%swap3A_434, %swap3A_435] {strides = array<i32>} : memref<24x2048xf32, #tpu.memory_space<vmem>>, vector<16xf32>,
          tpu.vector_store %arg9[%swap3A_434, %swap3A_435], %add3A_430 {strides = array<i32>} : memref<24x2048xf32, #tpu.memory_space<vmem>>, vector<16xf32>,
          %broadcast_in_dim3A_437 = arith.constant 15360 : i32
          %broadcast_in_dim3A_438 = vector.broadcast %broadcast_in_dim3A_437 : i32 to vector<16xi32>
          %add3A_439 = arith.addi %add3A_90, %broadcast_in_dim3A_438 : vector<16xi32>
          %gather3A_440 = tpu.vector_load_idx %arg6[%add3A_439] : memref<24576xf32, #tpu.memory_space<vmem>>[vector<16xi32>], vector<16xf32>,
          %mul3A_441 = arith.mulf %gather3A_440, %mul3A_84 : vector<16xf32>
          %add3A_442 = arith.addi %add3A_91, %broadcast_in_dim3A_438 : vector<16xi32>
          %gather3A_443 = tpu.vector_load_idx %arg6[%add3A_442] : memref<24576xf32, #tpu.memory_space<vmem>>[vector<16xi32>], vector<16xf32>,
          %mul3A_444 = arith.mulf %gather3A_443, %mul3A_85 : vector<16xf32>
          %add3A_445 = arith.addf %mul3A_441, %mul3A_444 : vector<16xf32>
          %add3A_446 = arith.addi %add3A_92, %broadcast_in_dim3A_438 : vector<16xi32>
          %gather3A_447 = tpu.vector_load_idx %arg6[%add3A_446] : memref<24576xf32, #tpu.memory_space<vmem>>[vector<16xi32>], vector<16xf32>,
          %mul3A_448 = arith.mulf %gather3A_447, %mul3A_86 : vector<16xf32>
          %add3A_449 = arith.addf %add3A_445, %mul3A_448 : vector<16xf32>
          %add3A_450 = arith.addi %add3A_93, %broadcast_in_dim3A_438 : vector<16xi32>
          %gather3A_451 = tpu.vector_load_idx %arg6[%add3A_450] : memref<24576xf32, #tpu.memory_space<vmem>>[vector<16xi32>], vector<16xf32>,
          %mul3A_452 = arith.mulf %gather3A_451, %mul3A_87 : vector<16xf32>
          %add3A_453 = arith.addf %add3A_449, %mul3A_452 : vector<16xf32>
          %mul3A_454 = arith.constant 16 : i32
          %mul3A_455 = arith.muli %scan3A_50, %mul3A_454 : i32
          %swap3A_456 = arith.constant 15 : i32
          %swap3A_457 = arith.index_cast %swap3A_456 : i32 to index
          %swap3A_458 = arith.index_cast %mul3A_455 : i32 to index
          %swap3A_459 = tpu.vector_load %arg9[%swap3A_457, %swap3A_458] {strides = array<i32>} : memref<24x2048xf32, #tpu.memory_space<vmem>>, vector<16xf32>,
          tpu.vector_store %arg9[%swap3A_457, %swap3A_458], %add3A_453 {strides = array<i32>} : memref<24x2048xf32, #tpu.memory_space<vmem>>, vector<16xf32>,
          %broadcast_in_dim3A_460 = arith.constant 16384 : i32
          %broadcast_in_dim3A_461 = vector.broadcast %broadcast_in_dim3A_460 : i32 to vector<16xi32>
          %add3A_462 = arith.addi %add3A_90, %broadcast_in_dim3A_461 : vector<16xi32>
          %gather3A_463 = tpu.vector_load_idx %arg6[%add3A_462] : memref<24576xf32, #tpu.memory_space<vmem>>[vector<16xi32>], vector<16xf32>,
          %mul3A_464 = arith.mulf %gather3A_463, %mul3A_84 : vector<16xf32>
          %add3A_465 = arith.addi %add3A_91, %broadcast_in_dim3A_461 : vector<16xi32>
          %gather3A_466 = tpu.vector_load_idx %arg6[%add3A_465] : memref<24576xf32, #tpu.memory_space<vmem>>[vector<16xi32>], vector<16xf32>,
          %mul3A_467 = arith.mulf %gather3A_466, %mul3A_85 : vector<16xf32>
          %add3A_468 = arith.addf %mul3A_464, %mul3A_467 : vector<16xf32>
          %add3A_469 = arith.addi %add3A_92, %broadcast_in_dim3A_461 : vector<16xi32>
          %gather3A_470 = tpu.vector_load_idx %arg6[%add3A_469] : memref<24576xf32, #tpu.memory_space<vmem>>[vector<16xi32>], vector<16xf32>,
          %mul3A_471 = arith.mulf %gather3A_470, %mul3A_86 : vector<16xf32>
          %add3A_472 = arith.addf %add3A_468, %mul3A_471 : vector<16xf32>
          %add3A_473 = arith.addi %add3A_93, %broadcast_in_dim3A_461 : vector<16xi32>
          %gather3A_474 = tpu.vector_load_idx %arg6[%add3A_473] : memref<24576xf32, #tpu.memory_space<vmem>>[vector<16xi32>], vector<16xf32>,
          %mul3A_475 = arith.mulf %gather3A_474, %mul3A_87 : vector<16xf32>
          %add3A_476 = arith.addf %add3A_472, %mul3A_475 : vector<16xf32>
          %mul3A_477 = arith.constant 16 : i32
          %mul3A_478 = arith.muli %scan3A_50, %mul3A_477 : i32
          %swap3A_479 = arith.constant 16 : i32
          %swap3A_480 = arith.index_cast %swap3A_479 : i32 to index
          %swap3A_481 = arith.index_cast %mul3A_478 : i32 to index
          %swap3A_482 = tpu.vector_load %arg9[%swap3A_480, %swap3A_481] {strides = array<i32>} : memref<24x2048xf32, #tpu.memory_space<vmem>>, vector<16xf32>,
          tpu.vector_store %arg9[%swap3A_480, %swap3A_481], %add3A_476 {strides = array<i32>} : memref<24x2048xf32, #tpu.memory_space<vmem>>, vector<16xf32>,
          %broadcast_in_dim3A_483 = arith.constant 17408 : i32
          %broadcast_in_dim3A_484 = vector.broadcast %broadcast_in_dim3A_483 : i32 to vector<16xi32>
          %add3A_485 = arith.addi %add3A_90, %broadcast_in_dim3A_484 : vector<16xi32>
          %gather3A_486 = tpu.vector_load_idx %arg6[%add3A_485] : memref<24576xf32, #tpu.memory_space<vmem>>[vector<16xi32>], vector<16xf32>,
          %mul3A_487 = arith.mulf %gather3A_486, %mul3A_84 : vector<16xf32>
          %add3A_488 = arith.addi %add3A_91, %broadcast_in_dim3A_484 : vector<16xi32>
          %gather3A_489 = tpu.vector_load_idx %arg6[%add3A_488] : memref<24576xf32, #tpu.memory_space<vmem>>[vector<16xi32>], vector<16xf32>,
          %mul3A_490 = arith.mulf %gather3A_489, %mul3A_85 : vector<16xf32>
          %add3A_491 = arith.addf %mul3A_487, %mul3A_490 : vector<16xf32>
          %add3A_492 = arith.addi %add3A_92, %broadcast_in_dim3A_484 : vector<16xi32>
          %gather3A_493 = tpu.vector_load_idx %arg6[%add3A_492] : memref<24576xf32, #tpu.memory_space<vmem>>[vector<16xi32>], vector<16xf32>,
          %mul3A_494 = arith.mulf %gather3A_493, %mul3A_86 : vector<16xf32>
          %add3A_495 = arith.addf %add3A_491, %mul3A_494 : vector<16xf32>
          %add3A_496 = arith.addi %add3A_93, %broadcast_in_dim3A_484 : vector<16xi32>
          %gather3A_497 = tpu.vector_load_idx %arg6[%add3A_496] : memref<24576xf32, #tpu.memory_space<vmem>>[vector<16xi32>], vector<16xf32>,
          %mul3A_498 = arith.mulf %gather3A_497, %mul3A_87 : vector<16xf32>
          %add3A_499 = arith.addf %add3A_495, %mul3A_498 : vector<16xf32>
          %mul3A_500 = arith.constant 16 : i32
          %mul3A_501 = arith.muli %scan3A_50, %mul3A_500 : i32
          %swap3A_502 = arith.constant 17 : i32
          %swap3A_503 = arith.index_cast %swap3A_502 : i32 to index
          %swap3A_504 = arith.index_cast %mul3A_501 : i32 to index
          %swap3A_505 = tpu.vector_load %arg9[%swap3A_503, %swap3A_504] {strides = array<i32>} : memref<24x2048xf32, #tpu.memory_space<vmem>>, vector<16xf32>,
          tpu.vector_store %arg9[%swap3A_503, %swap3A_504], %add3A_499 {strides = array<i32>} : memref<24x2048xf32, #tpu.memory_space<vmem>>, vector<16xf32>,
          %broadcast_in_dim3A_506 = arith.constant 18432 : i32
          %broadcast_in_dim3A_507 = vector.broadcast %broadcast_in_dim3A_506 : i32 to vector<16xi32>
          %add3A_508 = arith.addi %add3A_90, %broadcast_in_dim3A_507 : vector<16xi32>
          %gather3A_509 = tpu.vector_load_idx %arg6[%add3A_508] : memref<24576xf32, #tpu.memory_space<vmem>>[vector<16xi32>], vector<16xf32>,
          %mul3A_510 = arith.mulf %gather3A_509, %mul3A_84 : vector<16xf32>
          %add3A_511 = arith.addi %add3A_91, %broadcast_in_dim3A_507 : vector<16xi32>
          %gather3A_512 = tpu.vector_load_idx %arg6[%add3A_511] : memref<24576xf32, #tpu.memory_space<vmem>>[vector<16xi32>], vector<16xf32>,
          %mul3A_513 = arith.mulf %gather3A_512, %mul3A_85 : vector<16xf32>
          %add3A_514 = arith.addf %mul3A_510, %mul3A_513 : vector<16xf32>
          %add3A_515 = arith.addi %add3A_92, %broadcast_in_dim3A_507 : vector<16xi32>
          %gather3A_516 = tpu.vector_load_idx %arg6[%add3A_515] : memref<24576xf32, #tpu.memory_space<vmem>>[vector<16xi32>], vector<16xf32>,
          %mul3A_517 = arith.mulf %gather3A_516, %mul3A_86 : vector<16xf32>
          %add3A_518 = arith.addf %add3A_514, %mul3A_517 : vector<16xf32>
          %add3A_519 = arith.addi %add3A_93, %broadcast_in_dim3A_507 : vector<16xi32>
          %gather3A_520 = tpu.vector_load_idx %arg6[%add3A_519] : memref<24576xf32, #tpu.memory_space<vmem>>[vector<16xi32>], vector<16xf32>,
          %mul3A_521 = arith.mulf %gather3A_520, %mul3A_87 : vector<16xf32>
          %add3A_522 = arith.addf %add3A_518, %mul3A_521 : vector<16xf32>
          %mul3A_523 = arith.constant 16 : i32
          %mul3A_524 = arith.muli %scan3A_50, %mul3A_523 : i32
          %swap3A_525 = arith.constant 18 : i32
          %swap3A_526 = arith.index_cast %swap3A_525 : i32 to index
          %swap3A_527 = arith.index_cast %mul3A_524 : i32 to index
          %swap3A_528 = tpu.vector_load %arg9[%swap3A_526, %swap3A_527] {strides = array<i32>} : memref<24x2048xf32, #tpu.memory_space<vmem>>, vector<16xf32>,
          tpu.vector_store %arg9[%swap3A_526, %swap3A_527], %add3A_522 {strides = array<i32>} : memref<24x2048xf32, #tpu.memory_space<vmem>>, vector<16xf32>,
          %broadcast_in_dim3A_529 = arith.constant 19456 : i32
          %broadcast_in_dim3A_530 = vector.broadcast %broadcast_in_dim3A_529 : i32 to vector<16xi32>
          %add3A_531 = arith.addi %add3A_90, %broadcast_in_dim3A_530 : vector<16xi32>
          %gather3A_532 = tpu.vector_load_idx %arg6[%add3A_531] : memref<24576xf32, #tpu.memory_space<vmem>>[vector<16xi32>], vector<16xf32>,
          %mul3A_533 = arith.mulf %gather3A_532, %mul3A_84 : vector<16xf32>
          %add3A_534 = arith.addi %add3A_91, %broadcast_in_dim3A_530 : vector<16xi32>
          %gather3A_535 = tpu.vector_load_idx %arg6[%add3A_534] : memref<24576xf32, #tpu.memory_space<vmem>>[vector<16xi32>], vector<16xf32>,
          %mul3A_536 = arith.mulf %gather3A_535, %mul3A_85 : vector<16xf32>
          %add3A_537 = arith.addf %mul3A_533, %mul3A_536 : vector<16xf32>
          %add3A_538 = arith.addi %add3A_92, %broadcast_in_dim3A_530 : vector<16xi32>
          %gather3A_539 = tpu.vector_load_idx %arg6[%add3A_538] : memref<24576xf32, #tpu.memory_space<vmem>>[vector<16xi32>], vector<16xf32>,
          %mul3A_540 = arith.mulf %gather3A_539, %mul3A_86 : vector<16xf32>
          %add3A_541 = arith.addf %add3A_537, %mul3A_540 : vector<16xf32>
          %add3A_542 = arith.addi %add3A_93, %broadcast_in_dim3A_530 : vector<16xi32>
          %gather3A_543 = tpu.vector_load_idx %arg6[%add3A_542] : memref<24576xf32, #tpu.memory_space<vmem>>[vector<16xi32>], vector<16xf32>,
          %mul3A_544 = arith.mulf %gather3A_543, %mul3A_87 : vector<16xf32>
          %add3A_545 = arith.addf %add3A_541, %mul3A_544 : vector<16xf32>
          %mul3A_546 = arith.constant 16 : i32
          %mul3A_547 = arith.muli %scan3A_50, %mul3A_546 : i32
          %swap3A_548 = arith.constant 19 : i32
          %swap3A_549 = arith.index_cast %swap3A_548 : i32 to index
          %swap3A_550 = arith.index_cast %mul3A_547 : i32 to index
          %swap3A_551 = tpu.vector_load %arg9[%swap3A_549, %swap3A_550] {strides = array<i32>} : memref<24x2048xf32, #tpu.memory_space<vmem>>, vector<16xf32>,
          tpu.vector_store %arg9[%swap3A_549, %swap3A_550], %add3A_545 {strides = array<i32>} : memref<24x2048xf32, #tpu.memory_space<vmem>>, vector<16xf32>,
          %broadcast_in_dim3A_552 = arith.constant 20480 : i32
          %broadcast_in_dim3A_553 = vector.broadcast %broadcast_in_dim3A_552 : i32 to vector<16xi32>
          %add3A_554 = arith.addi %add3A_90, %broadcast_in_dim3A_553 : vector<16xi32>
          %gather3A_555 = tpu.vector_load_idx %arg6[%add3A_554] : memref<24576xf32, #tpu.memory_space<vmem>>[vector<16xi32>], vector<16xf32>,
          %mul3A_556 = arith.mulf %gather3A_555, %mul3A_84 : vector<16xf32>
          %add3A_557 = arith.addi %add3A_91, %broadcast_in_dim3A_553 : vector<16xi32>
          %gather3A_558 = tpu.vector_load_idx %arg6[%add3A_557] : memref<24576xf32, #tpu.memory_space<vmem>>[vector<16xi32>], vector<16xf32>,
          %mul3A_559 = arith.mulf %gather3A_558, %mul3A_85 : vector<16xf32>
          %add3A_560 = arith.addf %mul3A_556, %mul3A_559 : vector<16xf32>
          %add3A_561 = arith.addi %add3A_92, %broadcast_in_dim3A_553 : vector<16xi32>
          %gather3A_562 = tpu.vector_load_idx %arg6[%add3A_561] : memref<24576xf32, #tpu.memory_space<vmem>>[vector<16xi32>], vector<16xf32>,
          %mul3A_563 = arith.mulf %gather3A_562, %mul3A_86 : vector<16xf32>
          %add3A_564 = arith.addf %add3A_560, %mul3A_563 : vector<16xf32>
          %add3A_565 = arith.addi %add3A_93, %broadcast_in_dim3A_553 : vector<16xi32>
          %gather3A_566 = tpu.vector_load_idx %arg6[%add3A_565] : memref<24576xf32, #tpu.memory_space<vmem>>[vector<16xi32>], vector<16xf32>,
          %mul3A_567 = arith.mulf %gather3A_566, %mul3A_87 : vector<16xf32>
          %add3A_568 = arith.addf %add3A_564, %mul3A_567 : vector<16xf32>
          %mul3A_569 = arith.constant 16 : i32
          %mul3A_570 = arith.muli %scan3A_50, %mul3A_569 : i32
          %swap3A_571 = arith.constant 20 : i32
          %swap3A_572 = arith.index_cast %swap3A_571 : i32 to index
          %swap3A_573 = arith.index_cast %mul3A_570 : i32 to index
          %swap3A_574 = tpu.vector_load %arg9[%swap3A_572, %swap3A_573] {strides = array<i32>} : memref<24x2048xf32, #tpu.memory_space<vmem>>, vector<16xf32>,
          tpu.vector_store %arg9[%swap3A_572, %swap3A_573], %add3A_568 {strides = array<i32>} : memref<24x2048xf32, #tpu.memory_space<vmem>>, vector<16xf32>,
          %broadcast_in_dim3A_575 = arith.constant 21504 : i32
          %broadcast_in_dim3A_576 = vector.broadcast %broadcast_in_dim3A_575 : i32 to vector<16xi32>
          %add3A_577 = arith.addi %add3A_90, %broadcast_in_dim3A_576 : vector<16xi32>
          %gather3A_578 = tpu.vector_load_idx %arg6[%add3A_577] : memref<24576xf32, #tpu.memory_space<vmem>>[vector<16xi32>], vector<16xf32>,
          %mul3A_579 = arith.mulf %gather3A_578, %mul3A_84 : vector<16xf32>
          %add3A_580 = arith.addi %add3A_91, %broadcast_in_dim3A_576 : vector<16xi32>
          %gather3A_581 = tpu.vector_load_idx %arg6[%add3A_580] : memref<24576xf32, #tpu.memory_space<vmem>>[vector<16xi32>], vector<16xf32>,
          %mul3A_582 = arith.mulf %gather3A_581, %mul3A_85 : vector<16xf32>
          %add3A_583 = arith.addf %mul3A_579, %mul3A_582 : vector<16xf32>
          %add3A_584 = arith.addi %add3A_92, %broadcast_in_dim3A_576 : vector<16xi32>
          %gather3A_585 = tpu.vector_load_idx %arg6[%add3A_584] : memref<24576xf32, #tpu.memory_space<vmem>>[vector<16xi32>], vector<16xf32>,
          %mul3A_586 = arith.mulf %gather3A_585, %mul3A_86 : vector<16xf32>
          %add3A_587 = arith.addf %add3A_583, %mul3A_586 : vector<16xf32>
          %add3A_588 = arith.addi %add3A_93, %broadcast_in_dim3A_576 : vector<16xi32>
          %gather3A_589 = tpu.vector_load_idx %arg6[%add3A_588] : memref<24576xf32, #tpu.memory_space<vmem>>[vector<16xi32>], vector<16xf32>,
          %mul3A_590 = arith.mulf %gather3A_589, %mul3A_87 : vector<16xf32>
          %add3A_591 = arith.addf %add3A_587, %mul3A_590 : vector<16xf32>
          %mul3A_592 = arith.constant 16 : i32
          %mul3A_593 = arith.muli %scan3A_50, %mul3A_592 : i32
          %swap3A_594 = arith.constant 21 : i32
          %swap3A_595 = arith.index_cast %swap3A_594 : i32 to index
          %swap3A_596 = arith.index_cast %mul3A_593 : i32 to index
          %swap3A_597 = tpu.vector_load %arg9[%swap3A_595, %swap3A_596] {strides = array<i32>} : memref<24x2048xf32, #tpu.memory_space<vmem>>, vector<16xf32>,
          tpu.vector_store %arg9[%swap3A_595, %swap3A_596], %add3A_591 {strides = array<i32>} : memref<24x2048xf32, #tpu.memory_space<vmem>>, vector<16xf32>,
          %broadcast_in_dim3A_598 = arith.constant 22528 : i32
          %broadcast_in_dim3A_599 = vector.broadcast %broadcast_in_dim3A_598 : i32 to vector<16xi32>
          %add3A_600 = arith.addi %add3A_90, %broadcast_in_dim3A_599 : vector<16xi32>
          %gather3A_601 = tpu.vector_load_idx %arg6[%add3A_600] : memref<24576xf32, #tpu.memory_space<vmem>>[vector<16xi32>], vector<16xf32>,
          %mul3A_602 = arith.mulf %gather3A_601, %mul3A_84 : vector<16xf32>
          %add3A_603 = arith.addi %add3A_91, %broadcast_in_dim3A_599 : vector<16xi32>
          %gather3A_604 = tpu.vector_load_idx %arg6[%add3A_603] : memref<24576xf32, #tpu.memory_space<vmem>>[vector<16xi32>], vector<16xf32>,
          %mul3A_605 = arith.mulf %gather3A_604, %mul3A_85 : vector<16xf32>
          %add3A_606 = arith.addf %mul3A_602, %mul3A_605 : vector<16xf32>
          %add3A_607 = arith.addi %add3A_92, %broadcast_in_dim3A_599 : vector<16xi32>
          %gather3A_608 = tpu.vector_load_idx %arg6[%add3A_607] : memref<24576xf32, #tpu.memory_space<vmem>>[vector<16xi32>], vector<16xf32>,
          %mul3A_609 = arith.mulf %gather3A_608, %mul3A_86 : vector<16xf32>
          %add3A_610 = arith.addf %add3A_606, %mul3A_609 : vector<16xf32>
          %add3A_611 = arith.addi %add3A_93, %broadcast_in_dim3A_599 : vector<16xi32>
          %gather3A_612 = tpu.vector_load_idx %arg6[%add3A_611] : memref<24576xf32, #tpu.memory_space<vmem>>[vector<16xi32>], vector<16xf32>,
          %mul3A_613 = arith.mulf %gather3A_612, %mul3A_87 : vector<16xf32>
          %add3A_614 = arith.addf %add3A_610, %mul3A_613 : vector<16xf32>
          %mul3A_615 = arith.constant 16 : i32
          %mul3A_616 = arith.muli %scan3A_50, %mul3A_615 : i32
          %swap3A_617 = arith.constant 22 : i32
          %swap3A_618 = arith.index_cast %swap3A_617 : i32 to index
          %swap3A_619 = arith.index_cast %mul3A_616 : i32 to index
          %swap3A_620 = tpu.vector_load %arg9[%swap3A_618, %swap3A_619] {strides = array<i32>} : memref<24x2048xf32, #tpu.memory_space<vmem>>, vector<16xf32>,
          tpu.vector_store %arg9[%swap3A_618, %swap3A_619], %add3A_614 {strides = array<i32>} : memref<24x2048xf32, #tpu.memory_space<vmem>>, vector<16xf32>,
          %broadcast_in_dim3A_621 = arith.constant 23552 : i32
          %broadcast_in_dim3A_622 = vector.broadcast %broadcast_in_dim3A_621 : i32 to vector<16xi32>
          %add3A_623 = arith.addi %add3A_90, %broadcast_in_dim3A_622 : vector<16xi32>
          %gather3A_624 = tpu.vector_load_idx %arg6[%add3A_623] : memref<24576xf32, #tpu.memory_space<vmem>>[vector<16xi32>], vector<16xf32>,
          %mul3A_625 = arith.mulf %gather3A_624, %mul3A_84 : vector<16xf32>
          %add3A_626 = arith.addi %add3A_91, %broadcast_in_dim3A_622 : vector<16xi32>
          %gather3A_627 = tpu.vector_load_idx %arg6[%add3A_626] : memref<24576xf32, #tpu.memory_space<vmem>>[vector<16xi32>], vector<16xf32>,
          %mul3A_628 = arith.mulf %gather3A_627, %mul3A_85 : vector<16xf32>
          %add3A_629 = arith.addf %mul3A_625, %mul3A_628 : vector<16xf32>
          %add3A_630 = arith.addi %add3A_92, %broadcast_in_dim3A_622 : vector<16xi32>
          %gather3A_631 = tpu.vector_load_idx %arg6[%add3A_630] : memref<24576xf32, #tpu.memory_space<vmem>>[vector<16xi32>], vector<16xf32>,
          %mul3A_632 = arith.mulf %gather3A_631, %mul3A_86 : vector<16xf32>
          %add3A_633 = arith.addf %add3A_629, %mul3A_632 : vector<16xf32>
          %add3A_634 = arith.addi %add3A_93, %broadcast_in_dim3A_622 : vector<16xi32>
          %gather3A_635 = tpu.vector_load_idx %arg6[%add3A_634] : memref<24576xf32, #tpu.memory_space<vmem>>[vector<16xi32>], vector<16xf32>,
          %mul3A_636 = arith.mulf %gather3A_635, %mul3A_87 : vector<16xf32>
          %add3A_637 = arith.addf %add3A_633, %mul3A_636 : vector<16xf32>
          %mul3A_638 = arith.constant 16 : i32
          %mul3A_639 = arith.muli %scan3A_50, %mul3A_638 : i32
          %swap3A_640 = arith.constant 23 : i32
          %swap3A_641 = arith.index_cast %swap3A_640 : i32 to index
          %swap3A_642 = arith.index_cast %mul3A_639 : i32 to index
          %swap3A_643 = tpu.vector_load %arg9[%swap3A_641, %swap3A_642] {strides = array<i32>} : memref<24x2048xf32, #tpu.memory_space<vmem>>, vector<16xf32>,
          tpu.vector_store %arg9[%swap3A_641, %swap3A_642], %add3A_637 {strides = array<i32>} : memref<24x2048xf32, #tpu.memory_space<vmem>>, vector<16xf32>,
          %scan3A_644 = arith.constant 0 : i32
          scf.yield %scan3A_644 : i32
        }
        %scan3A_48 = arith.constant 128 : i32
        "tpu.region"() ({
          %run_scoped3A = tpu.sem_alloc : memref<!tpu.dma_semaphore, #tpu.memory_space<semaphore_mem>>
          %dma_start3A = tpu.memref_slice %arg5[%scan3A_26, %mul3A_2, %mul3A_41] : memref<8x768x8192xf32, #tpu.memory_space<hbm>> -> memref<1x24x2048xf32, #tpu.memory_space<hbm>>
          %dma_start3A_50 = tpu.memref_squeeze %dma_start3A : memref<1x24x2048xf32, #tpu.memory_space<hbm>> -> memref<24x2048xf32, #tpu.memory_space<hbm>>
          %dma_start3A_51 = tpu.memref_slice %arg5[%scan3A_26, %mul3A_2, %mul3A_41] : memref<8x768x8192xf32, #tpu.memory_space<hbm>> -> memref<1x24x2048xf32, #tpu.memory_space<hbm>>
          %dma_start3A_52 = tpu.memref_squeeze %dma_start3A_51 : memref<1x24x2048xf32, #tpu.memory_space<hbm>> -> memref<24x2048xf32, #tpu.memory_space<hbm>>
          tpu.enqueue_dma source(%arg9 : memref<24x2048xf32, #tpu.memory_space<vmem>>) target(%dma_start3A_52 : memref<24x2048xf32, #tpu.memory_space<hbm>>) target_semaphore(%run_scoped3A : memref<!tpu.dma_semaphore, #tpu.memory_space<semaphore_mem>>)
          %dma_wait3A = tpu.memref_slice %arg5[%scan3A_26, %mul3A_2, %mul3A_41] : memref<8x768x8192xf32, #tpu.memory_space<hbm>> -> memref<1x24x2048xf32, #tpu.memory_space<hbm>>
          %dma_wait3A_53 = tpu.memref_squeeze %dma_wait3A : memref<1x24x2048xf32, #tpu.memory_space<hbm>> -> memref<24x2048xf32, #tpu.memory_space<hbm>>
          %dma_wait3A_54 = tpu.memref_slice %arg5[%scan3A_26, %mul3A_2, %mul3A_41] : memref<8x768x8192xf32, #tpu.memory_space<hbm>> -> memref<1x24x2048xf32, #tpu.memory_space<hbm>>
          %dma_wait3A_55 = tpu.memref_squeeze %dma_wait3A_54 : memref<1x24x2048xf32, #tpu.memory_space<hbm>> -> memref<24x2048xf32, #tpu.memory_space<hbm>>
          tpu.wait_dma2 semaphore(%run_scoped3A : memref<!tpu.dma_semaphore, #tpu.memory_space<semaphore_mem>>) src(%arg9 : memref<24x2048xf32, #tpu.memory_space<vmem>>) dst(%dma_wait3A_55 : memref<24x2048xf32, #tpu.memory_space<hbm>>)
          tpu.yield
        }) : () -> ()
        %scan3A_49 = arith.constant 0 : i32
        scf.yield %scan3A_49 : i32
      }
      %scan3A_36 = arith.constant 4 : i32
      %scan3A_37 = arith.constant 0 : i32
      scf.yield %scan3A_37 : i32
    }
    %scan3A_25 = arith.constant 8 : i32
    return
  }
}

</mosaic_0001>

<sc_bundles>
// kernel: kernel.3.cloned.1.call-start
scs
__scs_entry_jumppad:
0x0: {  	(pc) =	sbr.rel $0x88, $3  }
0x1: {  	(tag) =	ssettag $0x0;
	lr =	simm.s32 $0x1  }
0x2: {  	[smem:$0x3F9F] =	sst lr;
	_ =	strace $0xD0000000  }
0x3: {  	_ = 	snop  }
0x4: {  	_ = 	snop  }
0x5: {  	_ = 	snop  }
0x6: {  	_ = 	snop  }
0x7: {  	_ = 	snop  }
__scs_overlays_trampoline_lowered:
0x8: {  	[smem:$0x3FAE] =	sst s0  }
0x9: {  	[smem:$0x3FAF] =	sst s1  }
0xa: {  	[smem:$0x3FB0] =	sst s2  }
0xb: {  	[smem:$0x3FB1] =	sst s3  }
0xc: {  	[smem:$0x3FB2] =	sst s4  }
0xd: {  	[smem:$0x3FB3] =	sst s5  }
0xe: {  	[smem:$0x3FB4] =	sst s6  }
0xf: {  	[smem:$0x3FB5] =	sst s7  }
0x10: {  	[smem:$0x3FB6] =	sst s8  }
0x11: {  	[smem:$0x3FB7] =	sst s9;
	s0 =	simm.s32 @!p0 $0x0  }
0x12: {  	s1 =	sld [smem:$0x3F9D];
	s0 =	simm.s32 @p0 $0x1  }
0x13: {  	[smem:$0x3FB8] =	sst s0;
	s0 =	simm.s32 @!p1 $0x0  }
0x14: {  	s2 =	sld [smem:$0x3F9C];
	s0 =	simm.s32 @p1 $0x1  }
0x15: {  	[smem:$0x3FB9] =	sst s0;
	s0 =	simm.s32 @!p2 $0x0  }
0x16: {  	s3 =	sld [smem:$0x3FDB];
	s0 =	simm.s32 @p2 $0x1  }
0x17: {  	s4 =	simm.s32 $0x1BF5;
	[smem:$0x3FBB] =	sst s0  }
0x18: {  	s0 =	sld [smem:$0x3F9E];
	_ =	swait.ge [sflag:s4], $0x0  }
0x19: {  	s7 =	sld [smem:$0x3F9F]  }
0x1a: {  	s8 =	sadd.s32 $0xFFFFE003, lr  }
0x1b: {  	s9 =	sadd.s32 $0xFFFFFEF7, lr;
	s5 =	simm.s32 $0xFFFFFFFF;
	p2 =	slt.u32 s8, $0xFFFFF086  }
0x1c: {  	p1 =	slt.u32 s9, $0xF7A;
	s5 =	simm.s32 @!p2 $0x0  }
0x1d: {  	s5 =	simm.s32 @p1 $0x1;
	p0 =	seq.s32 s7, s2  }
0x1e: {  	s7 =	smul.u32 @!p0 $0xF7A, s2;
	p2 =	seq.s32 @!p0 s5, $0x0  }
0x1f: {  	s9 =	smul.u32 $0xF7A, s1;
	s8 =	simm.s32 @!p0 $0x1BF5;
	p2 =	por !p2, p0  }
0x20: {  	[sflag:s8] =	ssyncset.s32 @!p0 $0xFFFFF086;
	s6 =	sadd.s32 @!p0 s3, s7;
	s7 =	simm.s32 @!p0 $0x108  }
0x21: {  	s3 =	sadd.s32 s3, s9;
	s6 =	sadd.s32 @!p0 $0x88, s6;
	s7 =	simm.s32 @p2 $0x1082  }
0x22: {  	[simem:s7], [sflag:s8] =	dma.local @!p0 [hbm:s6], $0xF7A  }
0x23: {  	s9 =	sor.u32 $0xD0000000, s2;
	s6 =	simm.s32 $0x108;
	_ =	swait.ge @!p0 [sflag:s8], $0x0  }
0x24: {  	s3 =	sadd.s32 $0x88, s3;
	s6 =	simm.s32 @!p1 $0x1082;
	[sflag:s4] =	ssyncset.s32 $0xFFFFF086  }
0x25: {  	[simem:s6], [sflag:s4] =	dma.local [hbm:s3], $0xF7A  }
0x26: {  	[smem:$0x3F9F] =	sst s1;
	(tag) =	ssettag s2;
	_ =	strace s9  }
0x27: {  	s1 =	sld [smem:$0x3FAF]  }
0x28: {  	s2 =	sld [smem:$0x3FB0]  }
0x29: {  	s4 =	sld [smem:$0x3FB2]  }
0x2a: {  	p0 =	seq.s32 s5, $0x0;
	s5 =	sld [smem:$0x3FB3]  }
0x2b: {  	s6 =	sld [smem:$0x3FB4]  }
0x2c: {  	s7 =	sld [smem:$0x3FB5]  }
0x2d: {  	s3 =	simm.s32 $0x108;
	s8 =	sld [smem:$0x3FB6]  }
0x2e: {  	s3 =	simm.s32 @!p0 $0x1082;
	s9 =	sld [smem:$0x3FB7]  }
0x2f: {  	lr =	sadd.s32 s0, s3;
	s0 =	sld [smem:$0x3FAE]  }
0x30: {  	s3 =	sld [smem:$0x3FB1]  }
0x31: {  	[smem:$0x3FBA] =	sst s10  }
0x32: {  	s10 =	sld [smem:$0x3FB8];
	_ =	sdelay $0x3  }
0x33: {  	p0 =	seq.s32 s10, $0x1;
	s10 =	sld [smem:$0x3FBA];
	_ =	sdelay $0x3  }
0x34: {  	[smem:$0x3FBA] =	sst s10  }
0x35: {  	s10 =	sld [smem:$0x3FB9];
	_ =	sdelay $0x3  }
0x36: {  	p1 =	seq.s32 s10, $0x1;
	s10 =	sld [smem:$0x3FBA];
	_ =	sdelay $0x3  }
0x37: {  	[smem:$0x3FBA] =	sst s10  }
0x38: {  	s10 =	sld [smem:$0x3FBB]  }
0x39: {  	_ = 	snop;
	(pc) =	sbr.ind lr, $3  }
0x3a: {  	_ = 	snop  }
0x3b: {  	_ = 	snop  }
0x3c: {  	p2 =	seq.s32 s10, $0x1;
	s10 =	sld [smem:$0x3FBA]  }
0x3d: {  	_ =	shalt  }
0x3e: {  	_ =	shalt  }
0x3f: {  	_ =	shalt  }
0x40: {  	_ =	shalt  }
0x41: {  	_ =	shalt  }
0x42: {  	_ =	shalt  }
0x43: {  	_ =	shalt  }
0x44: {  	_ =	shalt  }
0x45: {  	_ =	shalt  }
0x46: {  	_ =	shalt  }
0x47: {  	_ =	shalt  }
0x48: {  	_ =	shalt  }
0x49: {  	_ =	shalt  }
0x4a: {  	_ =	shalt  }
0x4b: {  	_ =	shalt  }
0x4c: {  	_ =	shalt  }
0x4d: {  	_ =	shalt  }
0x4e: {  	_ =	shalt  }
0x4f: {  	_ =	shalt  }
0x50: {  	_ =	shalt  }
0x51: {  	_ =	shalt  }
0x52: {  	_ =	shalt  }
0x53: {  	_ =	shalt  }
0x54: {  	_ =	shalt  }
0x55: {  	_ =	shalt  }
0x56: {  	_ =	shalt  }
0x57: {  	_ =	shalt  }
0x58: {  	_ =	shalt  }
0x59: {  	_ =	shalt  }
0x5a: {  	_ =	shalt  }
0x5b: {  	_ =	shalt  }
0x5c: {  	_ =	shalt  }
0x5d: {  	_ =	shalt  }
0x5e: {  	_ =	shalt  }
0x5f: {  	_ =	shalt  }
0x60: {  	_ =	shalt  }
0x61: {  	_ =	shalt  }
0x62: {  	_ =	shalt  }
0x63: {  	_ =	shalt  }
0x64: {  	_ =	shalt  }
0x65: {  	_ =	shalt  }
0x66: {  	_ =	shalt  }
0x67: {  	_ =	shalt  }
0x68: {  	_ =	shalt  }
0x69: {  	_ =	shalt  }
0x6a: {  	_ =	shalt  }
0x6b: {  	_ =	shalt  }
0x6c: {  	_ =	shalt  }
0x6d: {  	_ =	shalt  }
0x6e: {  	_ =	shalt  }
0x6f: {  	_ =	shalt  }
0x70: {  	_ =	shalt  }
0x71: {  	_ =	shalt  }
0x72: {  	_ =	shalt  }
0x73: {  	_ =	shalt  }
0x74: {  	_ =	shalt  }
0x75: {  	_ =	shalt  }
0x76: {  	_ =	shalt  }
0x77: {  	_ =	shalt  }
0x78: {  	_ =	shalt  }
0x79: {  	_ =	shalt  }
0x7a: {  	_ =	shalt  }
0x7b: {  	_ =	shalt  }
0x7c: {  	_ =	shalt  }
0x7d: {  	_ =	shalt  }
0x7e: {  	_ =	shalt  }
0x7f: {  	_ =	shalt  }
0x80: {  	_ =	shalt  }
0x81: {  	_ =	shalt  }
0x82: {  	_ =	shalt  }
0x83: {  	_ =	shalt  }
0x84: {  	_ =	shalt  }
0x85: {  	_ =	shalt  }
0x86: {  	_ =	shalt  }
0x87: {  	_ =	shalt  }
.Lfunc_end0:
.L_simem_size_0:
called_computation_lowered:
.L_overlay_start_0:
0x88: {  	s2 =	sld [smem:$0x3FD9]  }
0x89: {  	s3 =	sld [smem:$0x3FFE];
	_ =	sdelay $0x1  }
0x8a: {  	s1 =	srdreg.scid  }
0x8b: {  	s0 =	sand.u32 $0x1, s1  }
0x8c: {  	s17 =	sshll.u32 s0, $0xA;
	s2 =	sadd.s32 s3, s2  }
0x8d: {  	s2 =	sadd.s32 s2, s17  }
0x8e: {  	[smem:$0x3FC6] =	sst s2  }
0x8f: {  	_ = 	snop  }
0x90: {  	s2 =	sld [smem:$0x3FD0];
	(tm) =	ssettm $0x1  }
0x91: {  	s18 =	sld [smem:$0x3FFB];
	_ =	sdelay $0x3  }
0x92: {  	_ =	strace s18  }
0x93: {  	s3 =	sld [smem:$0x3FFC];
	_ =	sdelay $0x3  }
0x94: {  	_ =	strace s3  }
0x95: {  	s3 =	sld [smem:$0x3FFD];
	_ =	sdelay $0x3  }
0x96: {  	_ =	strace s3  }
0x97: {  	_ =	strace $0x8FFFFFFF  }
0x98: {  	s19 =	sld [smem:$0x3FDB];
	_ =	sdelay $0x1  }
0x99: {  	s4 =	simm.s32 $_scs_section_size  }
0x9a: {  	s5 =	simm.s32 $_size__tile_overlayer_lowered;
	s6 =	simm.s32 $_tile_overlayer_lowered  }
0x9b: {  	s22 =	simm.s32 $0x1BFF;
	s21 =	sshll.u32 s6, $0x1;
	s3 =	sadd.s32 s4, s19  }
0x9c: {  	s7 =	simm.s32 $0x0;
	s20 =	sshll.u32 s5, $0x1;
	s5 =	sadd.s32 s21, s3  }
0x9d: {  	[timem:s7], [sflag:s22] =	dma.local [hbm:s5], s20  }
0x9e: {  	_ =	swait.ge [sflag:s22], s20  }
0x9f: {  	s4 =	ssub.s32 $0x0, s20;
	[sflag:s22] =	ssyncset.done $0x0  }
0xa0: {  	[sflag:s22] =	ssyncadd.s32 s4;
	_ =	sdelay $0x1  }
0xa1: {  	s23 =	simm.s32 $0x1B8B  }
0xa2: {  	_ =	swait.ge [sflag:s23], $0x1  }
0xa3: {  	[sflag:s23] =	ssyncset.done $0x0  }
0xa4: {  	s25 =	simm.s32 $0x1B8E;
	s24 =	sld [smem:$0x3FFE];
	[sflag:s23] =	ssyncadd.s32 $0xFFFFFFFF  }
0xa5: {  	s26 =	simm.s32 $execute0_lowered;
	[smem:$0x3FD2] =	sst s25  }
0xa6: {  	s5 =	sshll.u32 s26, $0x1;
	_ =	strace $0x80000046;
	[dreg:$0x1] =	wrdreg $0xFFFFFFFF  }
0xa7: {  	s28 =	simm.s32 $_size_execute0_lowered;
	s3 =	sadd.s32 s3, s5;
	[dreg:$0x0] =	wrdreg $0x0  }
0xa8: {  	s5 =	sshll.u32 s28, $0x1;
	[dreg:$0x2] =	wrdreg s3  }
0xa9: {  	[dreg:$0x3] =	wrdreg s5  }
0xaa: {  	[dreg:$0x4] =	wrdreg $0xC0  }
0xab: {  	_ =	task [dreg:s7], $0x5FFFF  }
0xac: {  	[dreg:$0x1] =	wrdreg $0xFFFFFFFF  }
0xad: {  	[dreg:$0x0] =	wrdreg $0x60  }
0xae: {  	[dreg:$0x2] =	wrdreg s24  }
0xaf: {  	[dreg:$0x3] =	wrdreg s2  }
0xb0: {  	[dreg:$0x4] =	wrdreg $0x9  }
0xb1: {  	_ =	task.clear_ibuf [dreg:s7], $0x5FFFF;
	_ =	strace $0x90000046  }
0xb2: {  	s29 =	simm.s32 $0x9;
	_ =	strace $0x80000048  }
0xb3: {  	_ =	swait.ge [sflag:s29], $0x1  }
0xb4: {  	[sflag:s29] =	ssyncadd.s32 $0xFFFFFFFF  }
0xb5: {  	_ =	strace $0x90000048  }
0xb6: {  	_ =	sfence  }
0xb7: {  	s30 =	sld [smem:$0x0];
	_ =	sdelay $0x2  }
0xb8: {  	s31 =	sshll.u32 s1, $0xD;
	s1 =	sshrl.u32 s1, $0x2  }
0xb9: {  	s3 =	sand.u32 $0x4000, s31;
	s1 =	sadd.s32 s1, s30  }
0xba: {  	s0 =	sor.u32 s3, s0;
	s1 =	sshll.u32 s1, $0x11  }
0xbb: {  	s0 =	sor.u32 s1, s0  }
0xbc: {  	s0 =	sadd.s32 $0x8F2B, s0  }
0xbd: {  	[sflag:s0] =	ssyncadd.remote.s32 $0x1  }
0xbe: {  	_ =	sfence.sel $0xFFFF  }
0xbf: {  	[dreg:$0x0] =	wrdreg $0xFFFFFFFF;
	(pc) =	sbr.abs _section_cstart, $3  }
0xc0: {  	[dreg:$0x1] =	wrdreg $0xFFFFFFFF  }
0xc1: {  	_ =	task.clear_ibuf [dreg:s7], $0x2FFFF;
	_ =	strace $0x9FFFFFFF  }
0xc2: {  	(tm) =	ssettm $0x7FFFFFFF  }
0xc3: {  	_ =	shalt  }
tec
execute0_lowered:
.L_overlay_start_1:
0x0: {  	(tag) =	ssettag $0x1  }
0x1: {  	s6 =	rddreg [dreg:$0x0]  }
0x2: {  	s1 =	rddreg [dreg:$0x1]  }
0x3: {  	s0 =	rddreg [dreg:$0x2];
	s2 =	simm.s32 $0x0;
	s3 =	srdreg.scid  }
0x4: {  	s11 =	simm.s32 $0x1;
	s12 =	simm.s32 $0x4000;
	s13 =	simm.s32 $0x10000  }
0x5: {  	s14 =	simm.s32 $0x7000;
	s15 =	simm.s32 $0x0;
	[smem:$0x7FF] =	sst s2  }
0x6: {  	s7 =	sand.u32 $0x1, s3;
	s4 =	sadd.s32 $0xA00, s6;
	s3 =	stileid.u32  }
0x7: {  	s5 =	sadd.s32 $0xC2A00, s6;
	s6 =	sadd.s32 $0xC0A00, s6;
	s8 =	ssub.s32 $0x2, s7  }
0x8: {  	_ =	strace $0x80000047;
	s10 =	sshll.u32 s3, $0x1;
	s9 =	sshrl.u32 s8, $0x1  }
0x9: {  	s7 =	sor.u32 s7, s10;
	s10 =	simm.s32 $0x400;
	s8 =	ssub.s32 s8, s9  }
0xa: {  	v0 =	vimm.s32 $0x0;
	v1 =	vimm.f32 $0.0e+00;
	s7 =	smul.u32 $0x30000, s7;
	s9 =	simm.s32 $0x80;
	s8 =	smax.u32 s8, $0x1  }
.LBB2_1:
0xb: {  	s16 =	simm.s32 $0x0  }
.LBB2_2:
0xc: {  	s17 =	sshll.u32 s16, $0x7  }
0xd: {  	s18 =	sor.u32 s7, s17  }
0xe: {  	s18 =	sshrl.u32 s18, $0x3  }
0xf: {  	s19 =	sadd.s32 s4, s18;
	s18 =	simm.s32 $0x0  }
0x10: {  	[tilespmem:s18], [sflag:$0x1] =	stream.strided.gather [hbm4b:s19+s9], $0x6000, s10, s9, $0x38;
	[tilespmem:$0x13000] =	vst v63  }
0x11: {  	s31 =	smul.u32 $0x600000, s16;
	_ =	swait.ge [sflag:s11], $0x6000  }
0x12: {  	[sflag:s11] =	ssyncset.done $0x0  }
0x13: {  	s19 =	sadd.s32 s7, s31;
	[sflag:s11] =	ssyncadd.s32 $0xFFFFA000  }
.LBB2_3:
0x14: {  	s20 =	sshll.u32 s18, $0xE  }
0x15: {  	s21 =	sor.u32 s17, s20  }
0x16: {  	s22 =	sshrl.u32 s21, $0x3  }
0x17: {  	s21 =	simm.s32 $0x6000;
	s23 =	sadd.s32 s5, s22  }
0x18: {  	[tilespmem:s21], [sflag:$0x1] =	stream.strided.gather [hbm4b:s23+s9], $0x800, s10, s9, $0x38;
	[tilespmem:$0x13000] =	vst v63  }
0x19: {  	_ =	swait.ge [sflag:s11], $0x800  }
0x1a: {  	[sflag:s11] =	ssyncset.done $0x0  }
0x1b: {  	s31 =	sadd.s32 s6, s22;
	s22 =	simm.s32 $0x6800;
	[sflag:s11] =	ssyncadd.s32 $0xFFFFF800  }
0x1c: {  	[tilespmem:s22], [sflag:$0x1] =	stream.strided.gather [hbm4b:s31+s9], $0x800, s10, s9, $0x38;
	[tilespmem:$0x13000] =	vst v63  }
0x1d: {  	_ =	swait.ge [sflag:s11], $0x800  }
0x1e: {  	s24 =	simm.s32 $0x0;
	[sflag:s11] =	ssyncset.done $0x0  }
0x1f: {  	s25 =	simm.s32 $0x0;
	s23 =	simm.s32 $0x0;
	[sflag:s11] =	ssyncadd.s32 $0xFFFFF800  }
.LBB2_4:
0x20: {  	v2 =	vld [tilespmem:s21+$0x0]  }
0x21: {  	v3 =	vld [tilespmem:s22+$0x0];
	_ =	sdelay $0x3  }
0x22: {  	v4 =	vmul.f32 $6.250000000e-02, v2  }
0x23: {  	v5 =	vmul.f32 $6.250000000e-02, v3  }
0x24: {  	v2 =	vtrunc.f32 v4  }
0x25: {  	v3 =	vtrunc.f32 v5;
	v2 =	vcvt.f32.s32 v2  }
0x26: {  	v3 =	vcvt.f32.s32 v3  }
0x27: {  	vm0 =	vgt.s32 v2, $0x0  }
0x28: {  	vm10 =	vgt.s32 v3, $0x0;
	v6 =	vnsel vm0, $0x0, v2  }
0x29: {  	v2 =	vnsel vm10, $0x0, v3;
	v7 =	vcvt.s32.f32 v6  }
0x2a: {  	v8 =	vcvt.s32.f32 v2  }
0x2b: {  	vm11 =	vgt.f32 v4, v7  }
0x2c: {  	vm12 =	vgt.f32 v5, v8;
	v3 =	vsel vm11, $0x1, v0  }
0x2d: {  	v9 =	vsel vm12, $0x1, v0;
	v3 =	vadd.s32 v3, v6  }
0x2e: {  	v10 =	vshll.u32 v2, $0x5;
	v9 =	vadd.s32 v9, v2;
	vm13 =	vlt.s32 v3, $0x1F  }
0x2f: {  	v2 =	vadd.s32 v6, v10;
	vm14 =	vlt.s32 v9, $0x1F;
	v11 =	vnsel vm13, $0x1F, v3  }
0x30: {  	v9 =	vnsel vm14, $0x1F, v9;
	v3 =	vadd.s32 v10, v11  }
0x31: {  	vm15 =	vgt.f32 v4, $1.000000010e-10;
	v9 =	vshll.u32 v9, $0x5  }
0x32: {  	vm1 =	vgt.f32 v5, $1.000000010e-10;
	v7 =	vsub.f32 v4, v7;
	v4 =	vadd.s32 v6, v9  }
0x33: {  	v39 =	vsel vm15, $0x3F000000, v1;
	v41 =	vsel vm1, $0x3F000000, v1;
	v40 =	vsub.f32 v5, v8  }
0x34: {  	v42 =	vsub.f32 $1.000000000e+00, v7;
	v6 =	vadd.f32 v41, v39;
	v5 =	vadd.s32 v11, v9;
	v43 =	vld.idx.msk [tilespmem:v2+s2+$0x0], $0xffff  }
0x35: {  	v44 =	vld.idx.msk [tilespmem:v3+s2+$0x0], $0xffff  }
0x36: {  	v45 =	vsub.f32 $1.000000000e+00, v40;
	v12 =	vmul.f32 v42, v6;
	v13 =	vmul.f32 v6, v7  }
0x37: {  	v14 =	vld.idx.msk [tilespmem:v4+s2+$0x0], $0xffff  }
0x38: {  	v7 =	vmul.f32 v45, v12;
	v8 =	vmul.f32 v45, v13  }
0x39: {  	v6 =	vmul.f32 v12, v40;
	v46 =	vld.idx.msk [tilespmem:v5+s2+$0x0], $0xffff  }
0x3a: {  	v15 =	vmul.f32 v7, v43;
	v11 =	vmul.f32 v8, v44;
	_ =	sdelay $0x1  }
0x3b: {  	v9 =	vmul.f32 v40, v13;
	v48 =	vmul.f32 v6, v14;
	v47 =	vadd.f32 v11, v15;
	_ =	sdelay $0x1  }
0x3c: {  	v50 =	vadd.s32 $0x400, v2;
	v49 =	vmul.f32 v9, v46;
	v10 =	vadd.f32 v47, v48  }
0x3d: {  	v51 =	vadd.s32 $0x400, v3  }
0x3e: {  	s26 =	sand.u32 $0x70, s25;
	s28 =	sand.u32 $0x3C00, s24;
	v10 =	vadd.f32 v10, v49  }
0x3f: {  	s26 =	sor.u32 s26, s28;
	v52 =	vadd.s32 $0x400, v4  }
0x40: {  	[tilespmem:s26+$0x7000] =	vst v10  }
0x41: {  	v53 =	vadd.s32 $0x400, v5;
	v10 =	vld.idx.msk [tilespmem:v50+s2+$0x0], $0xffff  }
0x42: {  	v13 =	vld.idx.msk [tilespmem:v51+s2+$0x0], $0xffff;
	_ =	sdelay $0x1  }
0x43: {  	v11 =	vld.idx.msk [tilespmem:v52+s2+$0x0], $0xffff;
	_ =	sdelay $0x1  }
0x44: {  	v12 =	vld.idx.msk [tilespmem:v53+s2+$0x0], $0xffff  }
0x45: {  	v10 =	vmul.f32 v7, v10;
	v13 =	vmul.f32 v8, v13;
	_ =	sdelay $0x1  }
0x46: {  	v11 =	vmul.f32 v11, v6;
	v10 =	vadd.f32 v13, v10;
	_ =	sdelay $0x1  }
0x47: {  	v55 =	vadd.s32 $0x800, v2;
	v54 =	vmul.f32 v12, v9;
	v10 =	vadd.f32 v11, v10  }
0x48: {  	v56 =	vadd.s32 $0x800, v3  }
0x49: {  	v10 =	vadd.f32 v54, v10  }
0x4a: {  	v57 =	vadd.s32 $0x800, v4  }
0x4b: {  	[tilespmem:s26+$0x7080] =	vst v10  }
0x4c: {  	v58 =	vadd.s32 $0x800, v5;
	v10 =	vld.idx.msk [tilespmem:v55+s2+$0x0], $0xffff  }
0x4d: {  	v13 =	vld.idx.msk [tilespmem:v56+s2+$0x0], $0xffff;
	_ =	sdelay $0x1  }
0x4e: {  	v11 =	vld.idx.msk [tilespmem:v57+s2+$0x0], $0xffff;
	_ =	sdelay $0x1  }
0x4f: {  	v12 =	vld.idx.msk [tilespmem:v58+s2+$0x0], $0xffff  }
0x50: {  	v10 =	vmul.f32 v10, v7;
	v13 =	vmul.f32 v13, v8;
	_ =	sdelay $0x1  }
0x51: {  	v11 =	vmul.f32 v11, v6;
	v10 =	vadd.f32 v13, v10;
	_ =	sdelay $0x1  }
0x52: {  	v60 =	vadd.s32 $0xC00, v2;
	v59 =	vmul.f32 v12, v9;
	v10 =	vadd.f32 v11, v10  }
0x53: {  	v61 =	vadd.s32 $0xC00, v3  }
0x54: {  	v10 =	vadd.f32 v59, v10  }
0x55: {  	v62 =	vadd.s32 $0xC00, v4  }
0x56: {  	[tilespmem:s26+$0x7100] =	vst v10  }
0x57: {  	v63 =	vadd.s32 $0xC00, v5;
	v10 =	vld.idx.msk [tilespmem:v60+s2+$0x0], $0xffff  }
0x58: {  	v13 =	vld.idx.msk [tilespmem:v61+s2+$0x0], $0xffff;
	_ =	sdelay $0x1  }
0x59: {  	v11 =	vld.idx.msk [tilespmem:v62+s2+$0x0], $0xffff;
	_ =	sdelay $0x1  }
0x5a: {  	v12 =	vld.idx.msk [tilespmem:v63+s2+$0x0], $0xffff  }
0x5b: {  	v10 =	vmul.f32 v10, v7;
	v13 =	vmul.f32 v13, v8;
	_ =	sdelay $0x1  }
0x5c: {  	v11 =	vmul.f32 v11, v6;
	v10 =	vadd.f32 v13, v10;
	_ =	sdelay $0x1  }
0x5d: {  	v17 =	vadd.s32 $0x1000, v2;
	v16 =	vmul.f32 v12, v9;
	v10 =	vadd.f32 v11, v10  }
0x5e: {  	v18 =	vadd.s32 $0x1000, v3  }
0x5f: {  	v10 =	vadd.f32 v16, v10  }
0x60: {  	v19 =	vadd.s32 $0x1000, v4  }
0x61: {  	[tilespmem:s26+$0x7180] =	vst v10  }
0x62: {  	v20 =	vadd.s32 $0x1000, v5;
	v10 =	vld.idx.msk [tilespmem:v17+s2+$0x0], $0xffff  }
0x63: {  	v13 =	vld.idx.msk [tilespmem:v18+s2+$0x0], $0xffff;
	_ =	sdelay $0x1  }
0x64: {  	v11 =	vld.idx.msk [tilespmem:v19+s2+$0x0], $0xffff;
	_ =	sdelay $0x1  }
0x65: {  	v12 =	vld.idx.msk [tilespmem:v20+s2+$0x0], $0xffff  }
0x66: {  	v10 =	vmul.f32 v10, v7;
	v13 =	vmul.f32 v13, v8;
	_ =	sdelay $0x1  }
0x67: {  	v11 =	vmul.f32 v11, v6;
	v10 =	vadd.f32 v13, v10;
	_ =	sdelay $0x1  }
0x68: {  	v22 =	vadd.s32 $0x1400, v2;
	v21 =	vmul.f32 v12, v9;
	v10 =	vadd.f32 v11, v10  }
0x69: {  	v23 =	vadd.s32 $0x1400, v3  }
0x6a: {  	v10 =	vadd.f32 v21, v10  }
0x6b: {  	v24 =	vadd.s32 $0x1400, v4  }
0x6c: {  	[tilespmem:s26+$0x7200] =	vst v10  }
0x6d: {  	v25 =	vadd.s32 $0x1400, v5;
	v10 =	vld.idx.msk [tilespmem:v22+s2+$0x0], $0xffff  }
0x6e: {  	v13 =	vld.idx.msk [tilespmem:v23+s2+$0x0], $0xffff;
	_ =	sdelay $0x1  }
0x6f: {  	v11 =	vld.idx.msk [tilespmem:v24+s2+$0x0], $0xffff;
	_ =	sdelay $0x1  }
0x70: {  	v12 =	vld.idx.msk [tilespmem:v25+s2+$0x0], $0xffff  }
0x71: {  	v10 =	vmul.f32 v10, v7;
	v13 =	vmul.f32 v13, v8;
	_ =	sdelay $0x1  }
0x72: {  	v11 =	vmul.f32 v11, v6;
	v10 =	vadd.f32 v13, v10;
	_ =	sdelay $0x1  }
0x73: {  	v27 =	vadd.s32 $0x1800, v2;
	v26 =	vmul.f32 v12, v9;
	v10 =	vadd.f32 v11, v10  }
0x74: {  	v28 =	vadd.s32 $0x1800, v3  }
0x75: {  	v10 =	vadd.f32 v26, v10  }
0x76: {  	v29 =	vadd.s32 $0x1800, v4  }
0x77: {  	[tilespmem:s26+$0x7280] =	vst v10  }
0x78: {  	v30 =	vadd.s32 $0x1800, v5;
	v10 =	vld.idx.msk [tilespmem:v27+s2+$0x0], $0xffff  }
0x79: {  	v13 =	vld.idx.msk [tilespmem:v28+s2+$0x0], $0xffff;
	_ =	sdelay $0x1  }
0x7a: {  	v11 =	vld.idx.msk [tilespmem:v29+s2+$0x0], $0xffff;
	_ =	sdelay $0x1  }
0x7b: {  	v12 =	vld.idx.msk [tilespmem:v30+s2+$0x0], $0xffff  }
0x7c: {  	v10 =	vmul.f32 v10, v7;
	v13 =	vmul.f32 v13, v8;
	_ =	sdelay $0x1  }
0x7d: {  	v11 =	vmul.f32 v11, v6;
	v10 =	vadd.f32 v13, v10;
	_ =	sdelay $0x1  }
0x7e: {  	v32 =	vadd.s32 $0x1C00, v2;
	v31 =	vmul.f32 v12, v9;
	v10 =	vadd.f32 v11, v10  }
0x7f: {  	v33 =	vadd.s32 $0x1C00, v3  }
0x80: {  	v10 =	vadd.f32 v31, v10  }
0x81: {  	v34 =	vadd.s32 $0x1C00, v4  }
0x82: {  	[tilespmem:s26+$0x7300] =	vst v10  }
0x83: {  	v35 =	vadd.s32 $0x1C00, v5;
	v10 =	vld.idx.msk [tilespmem:v32+s2+$0x0], $0xffff  }
0x84: {  	v13 =	vld.idx.msk [tilespmem:v33+s2+$0x0], $0xffff;
	_ =	sdelay $0x1  }
0x85: {  	v11 =	vld.idx.msk [tilespmem:v34+s2+$0x0], $0xffff;
	_ =	sdelay $0x1  }
0x86: {  	v12 =	vld.idx.msk [tilespmem:v35+s2+$0x0], $0xffff  }
0x87: {  	v10 =	vmul.f32 v10, v7;
	v13 =	vmul.f32 v13, v8;
	_ =	sdelay $0x1  }
0x88: {  	v11 =	vmul.f32 v11, v6;
	v10 =	vadd.f32 v13, v10;
	_ =	sdelay $0x1  }
0x89: {  	s31 =	sand.u32 $0x7, s23;
	v37 =	vadd.s32 $0x2000, v2;
	v36 =	vmul.f32 v12, v9;
	v10 =	vadd.f32 v11, v10  }
0x8a: {  	s28 =	sshll.u32 s31, $0x4;
	v38 =	vadd.s32 $0x2000, v3  }
0x8b: {  	s28 =	sadd.s32 s28, s24;
	v10 =	vadd.f32 v36, v10  }
0x8c: {  	s28 =	sor.u32 $0x380, s28;
	v39 =	vadd.s32 $0x2000, v4  }
0x8d: {  	[tilespmem:s28+$0x7000] =	vst v10  }
0x8e: {  	v40 =	vadd.s32 $0x2000, v5;
	v10 =	vld.idx.msk [tilespmem:v37+s2+$0x0], $0xffff  }
0x8f: {  	v13 =	vld.idx.msk [tilespmem:v38+s2+$0x0], $0xffff;
	_ =	sdelay $0x1  }
0x90: {  	v11 =	vld.idx.msk [tilespmem:v39+s2+$0x0], $0xffff;
	_ =	sdelay $0x1  }
0x91: {  	v12 =	vld.idx.msk [tilespmem:v40+s2+$0x0], $0xffff  }
0x92: {  	v10 =	vmul.f32 v10, v7;
	v13 =	vmul.f32 v13, v8;
	_ =	sdelay $0x1  }
0x93: {  	v11 =	vmul.f32 v11, v6;
	v10 =	vadd.f32 v13, v10;
	_ =	sdelay $0x1  }
0x94: {  	v42 =	vadd.s32 $0x2400, v2;
	v41 =	vmul.f32 v12, v9;
	v10 =	vadd.f32 v11, v10  }
0x95: {  	v43 =	vadd.s32 $0x2400, v3  }
0x96: {  	v10 =	vadd.f32 v41, v10  }
0x97: {  	v44 =	vadd.s32 $0x2400, v4  }
0x98: {  	[tilespmem:s26+$0xB000] =	vst v10  }
0x99: {  	v45 =	vadd.s32 $0x2400, v5;
	v10 =	vld.idx.msk [tilespmem:v42+s2+$0x0], $0xffff  }
0x9a: {  	v13 =	vld.idx.msk [tilespmem:v43+s2+$0x0], $0xffff;
	_ =	sdelay $0x1  }
0x9b: {  	v11 =	vld.idx.msk [tilespmem:v44+s2+$0x0], $0xffff;
	_ =	sdelay $0x1  }
0x9c: {  	v12 =	vld.idx.msk [tilespmem:v45+s2+$0x0], $0xffff  }
0x9d: {  	v10 =	vmul.f32 v10, v7;
	v13 =	vmul.f32 v13, v8;
	_ =	sdelay $0x1  }
0x9e: {  	v11 =	vmul.f32 v11, v6;
	v10 =	vadd.f32 v13, v10;
	_ =	sdelay $0x1  }
0x9f: {  	v47 =	vadd.s32 $0x2800, v2;
	v46 =	vmul.f32 v12, v9;
	v10 =	vadd.f32 v11, v10  }
0xa0: {  	v48 =	vadd.s32 $0x2800, v3  }
0xa1: {  	v10 =	vadd.f32 v46, v10  }
0xa2: {  	v49 =	vadd.s32 $0x2800, v4  }
0xa3: {  	[tilespmem:s26+$0xB080] =	vst v10  }
0xa4: {  	v50 =	vadd.s32 $0x2800, v5;
	v10 =	vld.idx.msk [tilespmem:v47+s2+$0x0], $0xffff  }
0xa5: {  	v13 =	vld.idx.msk [tilespmem:v48+s2+$0x0], $0xffff;
	_ =	sdelay $0x1  }
0xa6: {  	v11 =	vld.idx.msk [tilespmem:v49+s2+$0x0], $0xffff;
	_ =	sdelay $0x1  }
0xa7: {  	v12 =	vld.idx.msk [tilespmem:v50+s2+$0x0], $0xffff  }
0xa8: {  	v10 =	vmul.f32 v10, v7;
	v13 =	vmul.f32 v13, v8;
	_ =	sdelay $0x1  }
0xa9: {  	v11 =	vmul.f32 v11, v6;
	v10 =	vadd.f32 v13, v10;
	_ =	sdelay $0x1  }
0xaa: {  	v52 =	vadd.s32 $0x2C00, v2;
	v51 =	vmul.f32 v12, v9;
	v10 =	vadd.f32 v11, v10  }
0xab: {  	v53 =	vadd.s32 $0x2C00, v3  }
0xac: {  	v10 =	vadd.f32 v51, v10  }
0xad: {  	v54 =	vadd.s32 $0x2C00, v4  }
0xae: {  	[tilespmem:s26+$0xB100] =	vst v10  }
0xaf: {  	v55 =	vadd.s32 $0x2C00, v5;
	v10 =	vld.idx.msk [tilespmem:v52+s2+$0x0], $0xffff  }
0xb0: {  	v13 =	vld.idx.msk [tilespmem:v53+s2+$0x0], $0xffff;
	_ =	sdelay $0x1  }
0xb1: {  	v11 =	vld.idx.msk [tilespmem:v54+s2+$0x0], $0xffff;
	_ =	sdelay $0x1  }
0xb2: {  	v12 =	vld.idx.msk [tilespmem:v55+s2+$0x0], $0xffff  }
0xb3: {  	v10 =	vmul.f32 v10, v7;
	v13 =	vmul.f32 v13, v8;
	_ =	sdelay $0x1  }
0xb4: {  	v11 =	vmul.f32 v11, v6;
	v10 =	vadd.f32 v13, v10;
	_ =	sdelay $0x1  }
0xb5: {  	v57 =	vadd.s32 $0x3000, v2;
	v56 =	vmul.f32 v12, v9;
	v10 =	vadd.f32 v11, v10  }
0xb6: {  	v58 =	vadd.s32 $0x3000, v3  }
0xb7: {  	v10 =	vadd.f32 v56, v10  }
0xb8: {  	v59 =	vadd.s32 $0x3000, v4  }
0xb9: {  	[tilespmem:s26+$0xB180] =	vst v10  }
0xba: {  	v60 =	vadd.s32 $0x3000, v5;
	v10 =	vld.idx.msk [tilespmem:v57+s2+$0x0], $0xffff  }
0xbb: {  	v13 =	vld.idx.msk [tilespmem:v58+s2+$0x0], $0xffff;
	_ =	sdelay $0x1  }
0xbc: {  	v11 =	vld.idx.msk [tilespmem:v59+s2+$0x0], $0xffff;
	_ =	sdelay $0x1  }
0xbd: {  	v12 =	vld.idx.msk [tilespmem:v60+s2+$0x0], $0xffff  }
0xbe: {  	v10 =	vmul.f32 v10, v7;
	v13 =	vmul.f32 v13, v8;
	_ =	sdelay $0x1  }
0xbf: {  	v11 =	vmul.f32 v11, v6;
	v10 =	vadd.f32 v13, v10;
	_ =	sdelay $0x1  }
0xc0: {  	v62 =	vadd.s32 $0x3400, v2;
	v61 =	vmul.f32 v12, v9;
	v10 =	vadd.f32 v11, v10  }
0xc1: {  	v63 =	vadd.s32 $0x3400, v3  }
0xc2: {  	v10 =	vadd.f32 v61, v10  }
0xc3: {  	v16 =	vadd.s32 $0x3400, v4  }
0xc4: {  	[tilespmem:s26+$0xB200] =	vst v10  }
0xc5: {  	v17 =	vadd.s32 $0x3400, v5;
	v10 =	vld.idx.msk [tilespmem:v62+s2+$0x0], $0xffff  }
0xc6: {  	v13 =	vld.idx.msk [tilespmem:v63+s2+$0x0], $0xffff;
	_ =	sdelay $0x1  }
0xc7: {  	v11 =	vld.idx.msk [tilespmem:v16+s2+$0x0], $0xffff;
	_ =	sdelay $0x1  }
0xc8: {  	v12 =	vld.idx.msk [tilespmem:v17+s2+$0x0], $0xffff  }
0xc9: {  	v10 =	vmul.f32 v10, v7;
	v13 =	vmul.f32 v13, v8;
	_ =	sdelay $0x1  }
0xca: {  	v11 =	vmul.f32 v11, v6;
	v10 =	vadd.f32 v13, v10;
	_ =	sdelay $0x1  }
0xcb: {  	v19 =	vadd.s32 $0x3800, v2;
	v18 =	vmul.f32 v12, v9;
	v10 =	vadd.f32 v11, v10  }
0xcc: {  	v20 =	vadd.s32 $0x3800, v3  }
0xcd: {  	v10 =	vadd.f32 v18, v10  }
0xce: {  	v21 =	vadd.s32 $0x3800, v4  }
0xcf: {  	[tilespmem:s26+$0xB280] =	vst v10  }
0xd0: {  	v22 =	vadd.s32 $0x3800, v5;
	v10 =	vld.idx.msk [tilespmem:v19+s2+$0x0], $0xffff  }
0xd1: {  	v13 =	vld.idx.msk [tilespmem:v20+s2+$0x0], $0xffff;
	_ =	sdelay $0x1  }
0xd2: {  	v11 =	vld.idx.msk [tilespmem:v21+s2+$0x0], $0xffff;
	_ =	sdelay $0x1  }
0xd3: {  	v12 =	vld.idx.msk [tilespmem:v22+s2+$0x0], $0xffff  }
0xd4: {  	v10 =	vmul.f32 v10, v7;
	v13 =	vmul.f32 v13, v8;
	_ =	sdelay $0x1  }
0xd5: {  	v11 =	vmul.f32 v11, v6;
	v10 =	vadd.f32 v13, v10;
	_ =	sdelay $0x1  }
0xd6: {  	v24 =	vadd.s32 $0x3C00, v2;
	v23 =	vmul.f32 v12, v9;
	v10 =	vadd.f32 v11, v10  }
0xd7: {  	v25 =	vadd.s32 $0x3C00, v3  }
0xd8: {  	v10 =	vadd.f32 v23, v10  }
0xd9: {  	v26 =	vadd.s32 $0x3C00, v4  }
0xda: {  	[tilespmem:s26+$0xB300] =	vst v10  }
0xdb: {  	v27 =	vadd.s32 $0x3C00, v5;
	v10 =	vld.idx.msk [tilespmem:v24+s2+$0x0], $0xffff  }
0xdc: {  	v13 =	vld.idx.msk [tilespmem:v25+s2+$0x0], $0xffff;
	_ =	sdelay $0x1  }
0xdd: {  	v11 =	vld.idx.msk [tilespmem:v26+s2+$0x0], $0xffff;
	_ =	sdelay $0x1  }
0xde: {  	v12 =	vld.idx.msk [tilespmem:v27+s2+$0x0], $0xffff  }
0xdf: {  	v10 =	vmul.f32 v10, v7;
	v13 =	vmul.f32 v13, v8;
	_ =	sdelay $0x1  }
0xe0: {  	v11 =	vmul.f32 v11, v6;
	v10 =	vadd.f32 v13, v10;
	_ =	sdelay $0x1  }
0xe1: {  	v29 =	vadd.s32 $0x4000, v2;
	v28 =	vmul.f32 v12, v9;
	v10 =	vadd.f32 v11, v10  }
0xe2: {  	v30 =	vadd.s32 $0x4000, v3  }
0xe3: {  	v10 =	vadd.f32 v28, v10  }
0xe4: {  	v31 =	vadd.s32 $0x4000, v4  }
0xe5: {  	[tilespmem:s26+$0xB380] =	vst v10  }
0xe6: {  	v32 =	vadd.s32 $0x4000, v5;
	v10 =	vld.idx.msk [tilespmem:v29+s2+$0x0], $0xffff  }
0xe7: {  	v13 =	vld.idx.msk [tilespmem:v30+s2+$0x0], $0xffff;
	_ =	sdelay $0x1  }
0xe8: {  	v11 =	vld.idx.msk [tilespmem:v31+s2+$0x0], $0xffff;
	_ =	sdelay $0x1  }
0xe9: {  	v12 =	vld.idx.msk [tilespmem:v32+s2+$0x0], $0xffff  }
0xea: {  	v10 =	vmul.f32 v10, v7;
	v13 =	vmul.f32 v13, v8;
	_ =	sdelay $0x1  }
0xeb: {  	v11 =	vmul.f32 v11, v6;
	v10 =	vadd.f32 v13, v10;
	_ =	sdelay $0x1  }
0xec: {  	v34 =	vadd.s32 $0x4400, v2;
	v33 =	vmul.f32 v12, v9;
	v10 =	vadd.f32 v11, v10  }
0xed: {  	v35 =	vadd.s32 $0x4400, v3  }
0xee: {  	v10 =	vadd.f32 v33, v10  }
0xef: {  	v36 =	vadd.s32 $0x4400, v4  }
0xf0: {  	[tilespmem:s26+$0xF000] =	vst v10  }
0xf1: {  	v37 =	vadd.s32 $0x4400, v5;
	v10 =	vld.idx.msk [tilespmem:v34+s2+$0x0], $0xffff  }
0xf2: {  	v13 =	vld.idx.msk [tilespmem:v35+s2+$0x0], $0xffff;
	_ =	sdelay $0x1  }
0xf3: {  	v11 =	vld.idx.msk [tilespmem:v36+s2+$0x0], $0xffff;
	_ =	sdelay $0x1  }
0xf4: {  	v12 =	vld.idx.msk [tilespmem:v37+s2+$0x0], $0xffff  }
0xf5: {  	v10 =	vmul.f32 v10, v7;
	v13 =	vmul.f32 v13, v8;
	_ =	sdelay $0x1  }
0xf6: {  	v11 =	vmul.f32 v11, v6;
	v10 =	vadd.f32 v13, v10;
	_ =	sdelay $0x1  }
0xf7: {  	v39 =	vadd.s32 $0x4800, v2;
	v38 =	vmul.f32 v12, v9;
	v10 =	vadd.f32 v11, v10  }
0xf8: {  	v40 =	vadd.s32 $0x4800, v3  }
0xf9: {  	v10 =	vadd.f32 v38, v10  }
0xfa: {  	v41 =	vadd.s32 $0x4800, v4  }
0xfb: {  	[tilespmem:s26+$0xF080] =	vst v10  }
0xfc: {  	v42 =	vadd.s32 $0x4800, v5;
	v10 =	vld.idx.msk [tilespmem:v39+s2+$0x0], $0xffff  }
0xfd: {  	v13 =	vld.idx.msk [tilespmem:v40+s2+$0x0], $0xffff;
	_ =	sdelay $0x1  }
0xfe: {  	v11 =	vld.idx.msk [tilespmem:v41+s2+$0x0], $0xffff;
	_ =	sdelay $0x1  }
0xff: {  	v12 =	vld.idx.msk [tilespmem:v42+s2+$0x0], $0xffff  }
0x100: {  	v10 =	vmul.f32 v10, v7;
	v13 =	vmul.f32 v13, v8;
	_ =	sdelay $0x1  }
0x101: {  	v11 =	vmul.f32 v11, v6;
	v10 =	vadd.f32 v13, v10;
	_ =	sdelay $0x1  }
0x102: {  	v44 =	vadd.s32 $0x4C00, v2;
	v43 =	vmul.f32 v12, v9;
	v10 =	vadd.f32 v11, v10  }
0x103: {  	v45 =	vadd.s32 $0x4C00, v3  }
0x104: {  	v10 =	vadd.f32 v43, v10  }
0x105: {  	v46 =	vadd.s32 $0x4C00, v4  }
0x106: {  	[tilespmem:s26+$0xF100] =	vst v10  }
0x107: {  	v47 =	vadd.s32 $0x4C00, v5;
	v10 =	vld.idx.msk [tilespmem:v44+s2+$0x0], $0xffff  }
0x108: {  	v13 =	vld.idx.msk [tilespmem:v45+s2+$0x0], $0xffff;
	_ =	sdelay $0x1  }
0x109: {  	v11 =	vld.idx.msk [tilespmem:v46+s2+$0x0], $0xffff;
	_ =	sdelay $0x1  }
0x10a: {  	v12 =	vld.idx.msk [tilespmem:v47+s2+$0x0], $0xffff  }
0x10b: {  	v10 =	vmul.f32 v10, v7;
	v13 =	vmul.f32 v13, v8;
	_ =	sdelay $0x1  }
0x10c: {  	v11 =	vmul.f32 v11, v6;
	v10 =	vadd.f32 v13, v10;
	_ =	sdelay $0x1  }
0x10d: {  	v49 =	vadd.s32 $0x5000, v2;
	v48 =	vmul.f32 v12, v9;
	v10 =	vadd.f32 v11, v10  }
0x10e: {  	v50 =	vadd.s32 $0x5000, v3  }
0x10f: {  	v10 =	vadd.f32 v48, v10  }
0x110: {  	v51 =	vadd.s32 $0x5000, v4  }
0x111: {  	[tilespmem:s26+$0xF180] =	vst v10  }
0x112: {  	v52 =	vadd.s32 $0x5000, v5;
	v10 =	vld.idx.msk [tilespmem:v49+s2+$0x0], $0xffff  }
0x113: {  	v13 =	vld.idx.msk [tilespmem:v50+s2+$0x0], $0xffff;
	_ =	sdelay $0x1  }
0x114: {  	v11 =	vld.idx.msk [tilespmem:v51+s2+$0x0], $0xffff;
	_ =	sdelay $0x1  }
0x115: {  	v12 =	vld.idx.msk [tilespmem:v52+s2+$0x0], $0xffff  }
0x116: {  	v10 =	vmul.f32 v10, v7;
	v13 =	vmul.f32 v13, v8;
	_ =	sdelay $0x1  }
0x117: {  	v11 =	vmul.f32 v11, v6;
	v10 =	vadd.f32 v13, v10;
	_ =	sdelay $0x1  }
0x118: {  	v54 =	vadd.s32 $0x5400, v2;
	v53 =	vmul.f32 v12, v9;
	v10 =	vadd.f32 v11, v10  }
0x119: {  	v55 =	vadd.s32 $0x5400, v3  }
0x11a: {  	v10 =	vadd.f32 v53, v10  }
0x11b: {  	v56 =	vadd.s32 $0x5400, v4  }
0x11c: {  	[tilespmem:s26+$0xF200] =	vst v10  }
0x11d: {  	v57 =	vadd.s32 $0x5400, v5;
	v10 =	vld.idx.msk [tilespmem:v54+s2+$0x0], $0xffff  }
0x11e: {  	v13 =	vld.idx.msk [tilespmem:v55+s2+$0x0], $0xffff;
	_ =	sdelay $0x1  }
0x11f: {  	v11 =	vld.idx.msk [tilespmem:v56+s2+$0x0], $0xffff;
	_ =	sdelay $0x1  }
0x120: {  	v12 =	vld.idx.msk [tilespmem:v57+s2+$0x0], $0xffff  }
0x121: {  	v10 =	vmul.f32 v10, v7;
	v13 =	vmul.f32 v13, v8;
	_ =	sdelay $0x1  }
0x122: {  	v11 =	vmul.f32 v11, v6;
	v10 =	vadd.f32 v13, v10;
	_ =	sdelay $0x1  }
0x123: {  	v59 =	vadd.s32 $0x5800, v2;
	v58 =	vmul.f32 v12, v9;
	v10 =	vadd.f32 v11, v10  }
0x124: {  	v60 =	vadd.s32 $0x5800, v3  }
0x125: {  	v10 =	vadd.f32 v58, v10  }
0x126: {  	v61 =	vadd.s32 $0x5800, v4  }
0x127: {  	[tilespmem:s26+$0xF280] =	vst v10  }
0x128: {  	v62 =	vadd.s32 $0x5800, v5;
	v10 =	vld.idx.msk [tilespmem:v59+s2+$0x0], $0xffff  }
0x129: {  	v13 =	vld.idx.msk [tilespmem:v60+s2+$0x0], $0xffff;
	_ =	sdelay $0x1  }
0x12a: {  	v11 =	vld.idx.msk [tilespmem:v61+s2+$0x0], $0xffff;
	_ =	sdelay $0x1  }
0x12b: {  	v12 =	vld.idx.msk [tilespmem:v62+s2+$0x0], $0xffff  }
0x12c: {  	v10 =	vmul.f32 v10, v7;
	v13 =	vmul.f32 v13, v8;
	_ =	sdelay $0x1  }
0x12d: {  	v11 =	vmul.f32 v11, v6;
	v10 =	vadd.f32 v13, v10;
	_ =	sdelay $0x1  }
0x12e: {  	v2 =	vadd.s32 $0x5C00, v2;
	v63 =	vmul.f32 v12, v9;
	v10 =	vadd.f32 v11, v10  }
0x12f: {  	v3 =	vadd.s32 $0x5C00, v3  }
0x130: {  	v10 =	vadd.f32 v63, v10  }
0x131: {  	v4 =	vadd.s32 $0x5C00, v4  }
0x132: {  	[tilespmem:s26+$0xF300] =	vst v10  }
0x133: {  	v5 =	vadd.s32 $0x5C00, v5;
	v2 =	vld.idx.msk [tilespmem:v2+s2+$0x0], $0xffff  }
0x134: {  	v3 =	vld.idx.msk [tilespmem:v3+s2+$0x0], $0xffff;
	_ =	sdelay $0x1  }
0x135: {  	v4 =	vld.idx.msk [tilespmem:v4+s2+$0x0], $0xffff;
	_ =	sdelay $0x1  }
0x136: {  	v5 =	vld.idx.msk [tilespmem:v5+s2+$0x0], $0xffff  }
0x137: {  	v2 =	vmul.f32 v2, v7;
	v3 =	vmul.f32 v3, v8;
	_ =	sdelay $0x1  }
0x138: {  	v2 =	vadd.f32 v3, v2;
	v3 =	vmul.f32 v4, v6  }
0x139: {  	p0 =	sne.s32 s25, $0x7F0  }
.Ltmp0:
0x13a: {  	v2 =	vadd.f32 v3, v2;
	v3 =	vmul.f32 v5, v9;
	(pc) =	sbr.rel @p0 .LBB2_4-.Ltmp0, $4  }
0x13b: {  	_ = 	snop  }
0x13c: {  	v2 =	vadd.f32 v3, v2  }
0x13d: {  	s23 =	sadd.s32 $0x1, s23;
	s21 =	sadd.s32 $0x10, s21  }
0x13e: {  	s22 =	sadd.s32 $0x10, s22;
	s25 =	sadd.s32 $0x10, s25;
	s24 =	sadd.s32 $0x80, s24;
	[tilespmem:s26+$0xF380] =	vst v2  }
0x13f: {  	s20 =	sadd.s32 s19, s20;
	s18 =	sadd.s32 $0x1, s18  }
0x140: {  	s20 =	sshrl.u32 s20, $0x3;
	p0 =	sne.s32 s18, $0x4  }
.Ltmp1:
0x141: {  	s20 =	sadd.s32 s1, s20;
	(pc) =	sbr.rel @p0 .LBB2_3-.Ltmp1, $4  }
0x142: {  	[hbm4b:s20+s12] =	stream.strided.scatter [tilespmem:s14], [sflag:$0x1], $0xC000, s13, s12, $0x38;
	[tilespmem:$0x13000] =	vst v63  }
0x143: {  	_ =	swait.ge [sflag:s11], $0xC000  }
0x144: {  	[sflag:s11] =	ssyncset.done $0x0  }
0x145: {  	[sflag:s11] =	ssyncadd.s32 $0xFFFF4000  }
0x146: {  	s16 =	sadd.s32 $0x1, s16  }
0x147: {  	p0 =	sne.s32 s16, $0x8  }
.Ltmp2:
0x148: {  	_ = 	snop;
	(pc) =	sbr.rel @p0 .LBB2_2-.Ltmp2, $1  }
0x149: {  	_ =	sdelay $0x3  }
0x14a: {  	s15 =	sadd.s32 $0x1, s15  }
0x14b: {  	p0 =	sne.s32 s15, s8  }
.Ltmp3:
0x14c: {  	_ = 	snop;
	(pc) =	sbr.rel @p0 .LBB2_1-.Ltmp3, $1  }
0x14d: {  	_ =	sdelay $0x3  }
0x14e: {  	_ =	sfence.sel $0x180000  }
0x14f: {  	[bflag:$0x0] =	sbarrier.arrive $0xFFFF  }
0x150: {  	p0 =	sne.s32 s3, $0x0;
	_ =	strace $0x90000047  }
0x151: {  	s0 =	sadd.s32 @!p0 $0x100000, s0;
	[bflag:$0x2] =	sbarrier.arrive $0xFFFF  }
0x152: {  	[sflag:s0] =	ssyncadd.tile.s32 @!p0 $0x1;
	_ =	shalt  }
.Lfunc_end2:
_tile_overlayer_lowered:
.L_overlay_start_2:
0x153: {  	(tag) =	ssettag $0x2  }
0x154: {  	s0 =	rddreg [dreg:$0x0];
	s2 =	stileid.u32  }
0x155: {  	s1 =	rddreg [dreg:$0x1];
	p0 =	sne.s32 s2, $0x0  }
0x156: {  	s3 =	rddreg [dreg:$0x2];
	[bflag:$0x3] =	sbarrier.arrive $0xFFFF;
	s2 =	simm.s32 @!p0 $0x1C01  }
0x157: {  	[timem:s3], [sflag:s2] =	dma.local @!p0 [hbm:s0], s1  }
0x158: {  	s0 =	simm.s32 @!p0 $0x1  }
0x159: {  	_ =	swait.ge @!p0 [sflag:s0], s1  }
0x15a: {  	s1 =	ssub.s32 @!p0 $0x0, s1;
	[sflag:s0] =	ssyncset.done @!p0 $0x0  }
0x15b: {  	[sflag:s0] =	ssyncadd.s32 @!p0 s1  }
0x15c: {  	[bflag:$0x3] =	sbarrier.arrive $0xFFFF  }
0x15d: {  	_ =	shalt  }

</sc_bundles>
